<compile_context>
chip_gen: v7x
topology: tpu7x:2x2x1
jax: 0.10.2.dev20260603
libtpu: 0.0.44.dev20260713+nightly
codegen_flags: <defaults>
</compile_context>

<pallas_src>
import functools

import jax
import jax.numpy as jnp
import numpy as np
from jax import lax
from jax.experimental import pallas as pl
from jax.experimental.pallas import tpu as pltpu
from jax.experimental.pallas import tpu_sc as plsc

TOP_K = 8
N_EXPERTS = 64
LANES = 16
SIGN = np.uint32(0x80000000)

_SORT8_NET = [(0, 1), (2, 3), (4, 5), (6, 7),
              (0, 2), (1, 3), (4, 6), (5, 7),
              (1, 2), (5, 6),
              (0, 4), (1, 5), (2, 6), (3, 7),
              (2, 4), (3, 5),
              (1, 2), (3, 4), (5, 6)]



def _tc_keys_body(x_ref, w_ref, out_ref):
    logits = lax.dot_general(
        w_ref[...], x_ref[...],
        dimension_numbers=(((1,), (1,)), ((), ())),
        precision=lax.Precision.DEFAULT,
        preferred_element_type=jnp.float32,
    )
    m = jnp.max(logits, axis=0, keepdims=True)
    e = jnp.exp(logits - m)
    s = jnp.sum(e, axis=0, keepdims=True)
    scores = e / s
    bits = lax.bitcast_convert_type(scores, jnp.uint32)
    inv_expert = (N_EXPERTS - 1) - lax.broadcasted_iota(
        jnp.uint32, scores.shape, 0)
    keys = lax.bitcast_convert_type(
        (((bits >> 4) << 6) | inv_expert) ^ SIGN, jnp.int32)
    rows = [keys[8 * r:8 * (r + 1)] for r in range(8)]
    for i, j in _SORT8_NET:
        a, b = rows[i], rows[j]
        rows[i] = jnp.maximum(a, b)
        rows[j] = jnp.minimum(a, b)
    def rot(v, amt):
        return jnp.concatenate([v[amt:], v[:amt]], axis=0)

    def bitonic8_desc(w):
        for stride in (4, 2, 1):
            for bs in range(0, 8, 2 * stride):
                for off in range(stride):
                    i, j = bs + off, bs + off + stride
                    a, b = w[i], w[j]
                    w[i] = jnp.maximum(a, b)
                    w[j] = jnp.minimum(a, b)
        return w

    w = bitonic8_desc([jnp.maximum(rows[i], rot(rows[7 - i], 4))
                       for i in range(8)])
    w2 = bitonic8_desc([jnp.maximum(w[i], rot(w[7 - i], 2))
                        for i in range(8)])
    quarter_keys = jnp.concatenate([w2[i][0:2] for i in range(8)], axis=0)
    spb = out_ref.shape[0]
    st = out_ref.shape[2]
    for j in range(spb):
        out_ref[j] = quarter_keys[:, j * st:(j + 1) * st]


def _tc_keys(x, weight, tblk, slab):
    n, h = x.shape
    grid = n // tblk
    spb = tblk // slab
    return pl.pallas_call(
        _tc_keys_body,
        grid=(grid,),
        in_specs=[
            pl.BlockSpec((tblk, h), lambda i: (i, 0)),
            pl.BlockSpec((N_EXPERTS, h), lambda i: (0, 0)),
        ],
        out_specs=pl.BlockSpec((spb, 16, slab), lambda i: (i, 0, 0)),
        out_shape=jax.ShapeDtypeStruct((n // slab, 16, slab), jnp.int32),
        compiler_params=pltpu.CompilerParams(
            dimension_semantics=("arbitrary",),
        ),
    )(x, weight)



def _sc_topk_kernel(n_tokens):
    info = plsc.get_sparse_core_info()
    nc, ns = info.num_cores, info.num_subcores
    nw = nc * ns
    tpw = n_tokens // nw
    groups = tpw // LANES
    mesh = plsc.VectorSubcoreMesh(core_axis_name="c", subcore_axis_name="s")

    @functools.partial(
        pl.kernel,
        mesh=mesh,
        out_type=(
            jax.ShapeDtypeStruct((TOP_K, n_tokens), jnp.int32),
            jax.ShapeDtypeStruct((TOP_K, n_tokens), jnp.int32),
        ),
        scratch_types=[
            pltpu.VMEM((16, tpw), jnp.int32),
            pltpu.VMEM((TOP_K, tpw), jnp.int32),
            pltpu.VMEM((TOP_K, tpw), jnp.int32),
        ],
    )
    def body(keys_hbm, idx_hbm, wt_hbm, sv, ibuf, wbuf):
        wid = lax.axis_index("s") * nc + lax.axis_index("c")
        base = wid * tpw
        pltpu.sync_copy(keys_hbm.at[wid], sv)

        def ce(p, i, j):
            a, b = p[i], p[j]
            p[i] = jnp.maximum(a, b)
            p[j] = jnp.minimum(a, b)

        def merge8(a, b):
            w = [jnp.maximum(a[i], b[TOP_K - 1 - i]) for i in range(TOP_K)]
            for stride in (4, 2, 1):
                for bs in range(0, TOP_K, 2 * stride):
                    for off in range(stride):
                        ce(w, bs + off, bs + off + stride)
            return w

        def group_body(t, carry):
            toff = t * LANES

            def load_block(b):
                return [sv[b + 2 * r, pl.ds(toff, LANES)]
                        for r in range(TOP_K)]

            top = merge8(load_block(0), load_block(1))
            sign_i = np.int32(-2**31)
            for k in range(TOP_K):
                key = top[k]
                widx = (N_EXPERTS - 1) - (key & (N_EXPERTS - 1))
                wt_bits = lax.shift_right_logical(key ^ sign_i, 6) << 4
                ibuf[k, pl.ds(toff, LANES)] = widx
                wbuf[k, pl.ds(toff, LANES)] = wt_bits
            return carry

        lax.fori_loop(0, groups, group_body, 0)

        pltpu.sync_copy(ibuf, idx_hbm.at[:, pl.ds(base, tpw)])
        pltpu.sync_copy(wbuf, wt_hbm.at[:, pl.ds(base, tpw)])

    return body



def kernel(hidden_states, weight):
    bsz, seqlen, hidden = hidden_states.shape
    n = bsz * seqlen
    x = hidden_states.reshape(n, hidden)
    keys_t = _tc_keys(x, weight, tblk=1024, slab=n // 32)
    idx_t, wt_bits_t = _sc_topk_kernel(n)(keys_t)
    wt_t = lax.bitcast_convert_type(wt_bits_t, jnp.float32)
    topk_indices = idx_t.T.reshape(bsz, seqlen, TOP_K)
    topk_weights = wt_t.T.reshape(bsz, seqlen, TOP_K)
    return (topk_indices, topk_weights)

# --- scband reference (transcript-rebuilt; emitter-appended) ---
"""Pipeline reference for scband-tiny-topk-router-18923625906578 (READ-ONLY COPY).

The authoritative reference and input builder live on the scoring server;
editing this copy changes nothing except your own understanding.
"""

import jax, jax.numpy as jnp
import numpy as np

TOP_K = 8
N_EXPERTS = 64
HIDDEN = 2048
ROUTED_SCALING_FACTOR = 1.0

def setup_inputs(seed: int = 0) -> dict:
    key = jax.random.key(seed)
    k1, k2 = jax.random.split(key)
    hidden_states = jax.random.normal(k1, (4, 4096, HIDDEN), dtype=jnp.float32)
    # kaiming-uniform-ish init for router weight [n_routed_experts, hidden_size]
    bound = 1.0 / np.sqrt(HIDDEN)
    weight = jax.random.uniform(k2, (N_EXPERTS, HIDDEN), dtype=jnp.float32, minval=-bound, maxval=bound)
    return {"hidden_states": hidden_states, "weight": weight}

def reference(hidden_states, weight):
    bsz, seqlen, hidden = hidden_states.shape
    x = hidden_states.reshape(-1, hidden)
    logits = x @ weight.T  # F.linear(x, weight)
    scores = jax.nn.softmax(logits.astype(jnp.float32), axis=-1)
    topk_weights, topk_indices = jax.lax.top_k(scores, TOP_K)
    topk_weights = topk_weights * ROUTED_SCALING_FACTOR
    topk_indices = topk_indices.reshape(bsz, seqlen, TOP_K)
    topk_weights = topk_weights.reshape(bsz, seqlen, TOP_K)
    return (topk_indices, topk_weights)

if __name__ == "__main__":
    import jax
    _d = setup_inputs()
    print(jax.jit(kernel)(*tuple(_d.values())))

</pallas_src>

<mosaic_0001>
#map = affine_map<(d0, d1) -> (0, 0, 0)>
#map1 = affine_map<(d0, d1) -> (0, 0)>
module attributes {stable_mosaic.version = 14 : i64} {
  func.func @body(%arg0: i32, %arg1: i32, %arg2: memref<32x16x512xi32, #tpu.memory_space<hbm>>, %arg3: memref<8x16384xi32, #tpu.memory_space<hbm>>, %arg4: memref<8x16384xi32, #tpu.memory_space<hbm>>, %arg5: memref<16x512xi32, #tpu.memory_space<vmem>>, %arg6: memref<8x512xi32, #tpu.memory_space<vmem>>, %arg7: memref<8x512xi32, #tpu.memory_space<vmem>>) attributes {dimension_semantics = [#tpu.dimension_semantics<core_parallel>, #tpu.dimension_semantics<subcore_parallel>], iteration_bounds = array<i64: 2, 16>, scalar_prefetch = 0 : i64, scratch_operands = 3 : i64, tpu.core_type = #tpu.core_type<sc_vector_subcore>, window_params = [{transform_indices = #map}, {transform_indices = #map1}, {transform_indices = #map1}]} {
    %mul3A = arith.constant 2 : i32
    %mul3A_0 = arith.muli %arg1, %mul3A : i32
    %add3A = arith.addi %mul3A_0, %arg0 : i32
    %mul3A_1 = arith.constant 512 : i32
    %mul3A_2 = arith.muli %add3A, %mul3A_1 : i32
    "tpu.region"() ({
      %run_scoped3A = tpu.sem_alloc : memref<!tpu.dma_semaphore, #tpu.memory_space<semaphore_mem>>
      %dma_start3A = arith.constant 0 : i32
      %dma_start3A_8 = arith.constant 0 : i32
      %dma_start3A_9 = tpu.memref_slice %arg2[%add3A, %dma_start3A, %dma_start3A_8] : memref<32x16x512xi32, #tpu.memory_space<hbm>> -> memref<1x16x512xi32, #tpu.memory_space<hbm>>
      %dma_start3A_10 = tpu.memref_squeeze %dma_start3A_9 : memref<1x16x512xi32, #tpu.memory_space<hbm>> -> memref<16x512xi32, #tpu.memory_space<hbm>>
      %dma_start3A_11 = arith.constant 0 : i32
      %dma_start3A_12 = arith.constant 0 : i32
      %dma_start3A_13 = tpu.memref_slice %arg2[%add3A, %dma_start3A_11, %dma_start3A_12] : memref<32x16x512xi32, #tpu.memory_space<hbm>> -> memref<1x16x512xi32, #tpu.memory_space<hbm>>
      %dma_start3A_14 = tpu.memref_squeeze %dma_start3A_13 : memref<1x16x512xi32, #tpu.memory_space<hbm>> -> memref<16x512xi32, #tpu.memory_space<hbm>>
      tpu.enqueue_dma source(%dma_start3A_14 : memref<16x512xi32, #tpu.memory_space<hbm>>) target(%arg5 : memref<16x512xi32, #tpu.memory_space<vmem>>) target_semaphore(%run_scoped3A : memref<!tpu.dma_semaphore, #tpu.memory_space<semaphore_mem>>)
      %dma_wait3A = arith.constant 0 : i32
      %dma_wait3A_15 = arith.constant 0 : i32
      %dma_wait3A_16 = tpu.memref_slice %arg2[%add3A, %dma_wait3A, %dma_wait3A_15] : memref<32x16x512xi32, #tpu.memory_space<hbm>> -> memref<1x16x512xi32, #tpu.memory_space<hbm>>
      %dma_wait3A_17 = tpu.memref_squeeze %dma_wait3A_16 : memref<1x16x512xi32, #tpu.memory_space<hbm>> -> memref<16x512xi32, #tpu.memory_space<hbm>>
      %dma_wait3A_18 = arith.constant 0 : i32
      %dma_wait3A_19 = arith.constant 0 : i32
      %dma_wait3A_20 = tpu.memref_slice %arg2[%add3A, %dma_wait3A_18, %dma_wait3A_19] : memref<32x16x512xi32, #tpu.memory_space<hbm>> -> memref<1x16x512xi32, #tpu.memory_space<hbm>>
      %dma_wait3A_21 = tpu.memref_squeeze %dma_wait3A_20 : memref<1x16x512xi32, #tpu.memory_space<hbm>> -> memref<16x512xi32, #tpu.memory_space<hbm>>
      tpu.wait_dma2 semaphore(%run_scoped3A : memref<!tpu.dma_semaphore, #tpu.memory_space<semaphore_mem>>) src(%dma_wait3A_21 : memref<16x512xi32, #tpu.memory_space<hbm>>) dst(%arg5 : memref<16x512xi32, #tpu.memory_space<vmem>>)
      tpu.yield
    }) : () -> ()
    %scan3A = arith.constant 0 : i32
    %scan3A_3 = arith.constant 0 : i32
    %scan3A_4 = arith.constant 32 : i32
    %scan3A_5 = arith.addi %scan3A_3, %scan3A_4 : i32
    %scan3A_6 = arith.constant 1 : i32
    scf.for %scan3A_8 = %scan3A_3 to %scan3A_5 step %scan3A_6  : i32 {
      %mul3A_9 = arith.constant 16 : i32
      %mul3A_10 = arith.muli %scan3A_8, %mul3A_9 : i32
      %get3A = arith.constant 0 : i32
      %get3A_11 = arith.index_cast %get3A : i32 to index
      %get3A_12 = arith.index_cast %mul3A_10 : i32 to index
      %get3A_13 = tpu.vector_load %arg5[%get3A_11, %get3A_12] {strides = array<i32>} : memref<16x512xi32, #tpu.memory_space<vmem>>, vector<1x16xi32>,
      %get3A_14 = vector.shape_cast %get3A_13 : vector<1x16xi32> to vector<16xi32>
      %get3A_15 = arith.constant 2 : i32
      %get3A_16 = arith.index_cast %get3A_15 : i32 to index
      %get3A_17 = arith.index_cast %mul3A_10 : i32 to index
      %get3A_18 = tpu.vector_load %arg5[%get3A_16, %get3A_17] {strides = array<i32>} : memref<16x512xi32, #tpu.memory_space<vmem>>, vector<1x16xi32>,
      %get3A_19 = vector.shape_cast %get3A_18 : vector<1x16xi32> to vector<16xi32>
      %get3A_20 = arith.constant 4 : i32
      %get3A_21 = arith.index_cast %get3A_20 : i32 to index
      %get3A_22 = arith.index_cast %mul3A_10 : i32 to index
      %get3A_23 = tpu.vector_load %arg5[%get3A_21, %get3A_22] {strides = array<i32>} : memref<16x512xi32, #tpu.memory_space<vmem>>, vector<1x16xi32>,
      %get3A_24 = vector.shape_cast %get3A_23 : vector<1x16xi32> to vector<16xi32>
      %get3A_25 = arith.constant 6 : i32
      %get3A_26 = arith.index_cast %get3A_25 : i32 to index
      %get3A_27 = arith.index_cast %mul3A_10 : i32 to index
      %get3A_28 = tpu.vector_load %arg5[%get3A_26, %get3A_27] {strides = array<i32>} : memref<16x512xi32, #tpu.memory_space<vmem>>, vector<1x16xi32>,
      %get3A_29 = vector.shape_cast %get3A_28 : vector<1x16xi32> to vector<16xi32>
      %get3A_30 = arith.constant 8 : i32
      %get3A_31 = arith.index_cast %get3A_30 : i32 to index
      %get3A_32 = arith.index_cast %mul3A_10 : i32 to index
      %get3A_33 = tpu.vector_load %arg5[%get3A_31, %get3A_32] {strides = array<i32>} : memref<16x512xi32, #tpu.memory_space<vmem>>, vector<1x16xi32>,
      %get3A_34 = vector.shape_cast %get3A_33 : vector<1x16xi32> to vector<16xi32>
      %get3A_35 = arith.constant 10 : i32
      %get3A_36 = arith.index_cast %get3A_35 : i32 to index
      %get3A_37 = arith.index_cast %mul3A_10 : i32 to index
      %get3A_38 = tpu.vector_load %arg5[%get3A_36, %get3A_37] {strides = array<i32>} : memref<16x512xi32, #tpu.memory_space<vmem>>, vector<1x16xi32>,
      %get3A_39 = vector.shape_cast %get3A_38 : vector<1x16xi32> to vector<16xi32>
      %get3A_40 = arith.constant 12 : i32
      %get3A_41 = arith.index_cast %get3A_40 : i32 to index
      %get3A_42 = arith.index_cast %mul3A_10 : i32 to index
      %get3A_43 = tpu.vector_load %arg5[%get3A_41, %get3A_42] {strides = array<i32>} : memref<16x512xi32, #tpu.memory_space<vmem>>, vector<1x16xi32>,
      %get3A_44 = vector.shape_cast %get3A_43 : vector<1x16xi32> to vector<16xi32>
      %get3A_45 = arith.constant 14 : i32
      %get3A_46 = arith.index_cast %get3A_45 : i32 to index
      %get3A_47 = arith.index_cast %mul3A_10 : i32 to index
      %get3A_48 = tpu.vector_load %arg5[%get3A_46, %get3A_47] {strides = array<i32>} : memref<16x512xi32, #tpu.memory_space<vmem>>, vector<1x16xi32>,
      %get3A_49 = vector.shape_cast %get3A_48 : vector<1x16xi32> to vector<16xi32>
      %get3A_50 = arith.constant 1 : i32
      %get3A_51 = arith.index_cast %get3A_50 : i32 to index
      %get3A_52 = arith.index_cast %mul3A_10 : i32 to index
      %get3A_53 = tpu.vector_load %arg5[%get3A_51, %get3A_52] {strides = array<i32>} : memref<16x512xi32, #tpu.memory_space<vmem>>, vector<1x16xi32>,
      %get3A_54 = vector.shape_cast %get3A_53 : vector<1x16xi32> to vector<16xi32>
      %get3A_55 = arith.constant 3 : i32
      %get3A_56 = arith.index_cast %get3A_55 : i32 to index
      %get3A_57 = arith.index_cast %mul3A_10 : i32 to index
      %get3A_58 = tpu.vector_load %arg5[%get3A_56, %get3A_57] {strides = array<i32>} : memref<16x512xi32, #tpu.memory_space<vmem>>, vector<1x16xi32>,
      %get3A_59 = vector.shape_cast %get3A_58 : vector<1x16xi32> to vector<16xi32>
      %get3A_60 = arith.constant 5 : i32
      %get3A_61 = arith.index_cast %get3A_60 : i32 to index
      %get3A_62 = arith.index_cast %mul3A_10 : i32 to index
      %get3A_63 = tpu.vector_load %arg5[%get3A_61, %get3A_62] {strides = array<i32>} : memref<16x512xi32, #tpu.memory_space<vmem>>, vector<1x16xi32>,
      %get3A_64 = vector.shape_cast %get3A_63 : vector<1x16xi32> to vector<16xi32>
      %get3A_65 = arith.constant 7 : i32
      %get3A_66 = arith.index_cast %get3A_65 : i32 to index
      %get3A_67 = arith.index_cast %mul3A_10 : i32 to index
      %get3A_68 = tpu.vector_load %arg5[%get3A_66, %get3A_67] {strides = array<i32>} : memref<16x512xi32, #tpu.memory_space<vmem>>, vector<1x16xi32>,
      %get3A_69 = vector.shape_cast %get3A_68 : vector<1x16xi32> to vector<16xi32>
      %get3A_70 = arith.constant 9 : i32
      %get3A_71 = arith.index_cast %get3A_70 : i32 to index
      %get3A_72 = arith.index_cast %mul3A_10 : i32 to index
      %get3A_73 = tpu.vector_load %arg5[%get3A_71, %get3A_72] {strides = array<i32>} : memref<16x512xi32, #tpu.memory_space<vmem>>, vector<1x16xi32>,
      %get3A_74 = vector.shape_cast %get3A_73 : vector<1x16xi32> to vector<16xi32>
      %get3A_75 = arith.constant 11 : i32
      %get3A_76 = arith.index_cast %get3A_75 : i32 to index
      %get3A_77 = arith.index_cast %mul3A_10 : i32 to index
      %get3A_78 = tpu.vector_load %arg5[%get3A_76, %get3A_77] {strides = array<i32>} : memref<16x512xi32, #tpu.memory_space<vmem>>, vector<1x16xi32>,
      %get3A_79 = vector.shape_cast %get3A_78 : vector<1x16xi32> to vector<16xi32>
      %get3A_80 = arith.constant 13 : i32
      %get3A_81 = arith.index_cast %get3A_80 : i32 to index
      %get3A_82 = arith.index_cast %mul3A_10 : i32 to index
      %get3A_83 = tpu.vector_load %arg5[%get3A_81, %get3A_82] {strides = array<i32>} : memref<16x512xi32, #tpu.memory_space<vmem>>, vector<1x16xi32>,
      %get3A_84 = vector.shape_cast %get3A_83 : vector<1x16xi32> to vector<16xi32>
      %get3A_85 = arith.constant 15 : i32
      %get3A_86 = arith.index_cast %get3A_85 : i32 to index
      %get3A_87 = arith.index_cast %mul3A_10 : i32 to index
      %get3A_88 = tpu.vector_load %arg5[%get3A_86, %get3A_87] {strides = array<i32>} : memref<16x512xi32, #tpu.memory_space<vmem>>, vector<1x16xi32>,
      %get3A_89 = vector.shape_cast %get3A_88 : vector<1x16xi32> to vector<16xi32>
      %max3A = arith.maxsi %get3A_14, %get3A_89 : vector<16xi32>
      %max3A_90 = arith.maxsi %get3A_19, %get3A_84 : vector<16xi32>
      %max3A_91 = arith.maxsi %get3A_24, %get3A_79 : vector<16xi32>
      %max3A_92 = arith.maxsi %get3A_29, %get3A_74 : vector<16xi32>
      %max3A_93 = arith.maxsi %get3A_34, %get3A_69 : vector<16xi32>
      %max3A_94 = arith.maxsi %get3A_39, %get3A_64 : vector<16xi32>
      %max3A_95 = arith.maxsi %get3A_44, %get3A_59 : vector<16xi32>
      %max3A_96 = arith.maxsi %get3A_49, %get3A_54 : vector<16xi32>
      %max3A_97 = arith.maxsi %max3A, %max3A_93 : vector<16xi32>
      %min3A = arith.minsi %max3A, %max3A_93 : vector<16xi32>
      %max3A_98 = arith.maxsi %max3A_90, %max3A_94 : vector<16xi32>
      %min3A_99 = arith.minsi %max3A_90, %max3A_94 : vector<16xi32>
      %max3A_100 = arith.maxsi %max3A_91, %max3A_95 : vector<16xi32>
      %min3A_101 = arith.minsi %max3A_91, %max3A_95 : vector<16xi32>
      %max3A_102 = arith.maxsi %max3A_92, %max3A_96 : vector<16xi32>
      %min3A_103 = arith.minsi %max3A_92, %max3A_96 : vector<16xi32>
      %max3A_104 = arith.maxsi %max3A_97, %max3A_100 : vector<16xi32>
      %min3A_105 = arith.minsi %max3A_97, %max3A_100 : vector<16xi32>
      %max3A_106 = arith.maxsi %max3A_98, %max3A_102 : vector<16xi32>
      %min3A_107 = arith.minsi %max3A_98, %max3A_102 : vector<16xi32>
      %max3A_108 = arith.maxsi %min3A, %min3A_101 : vector<16xi32>
      %min3A_109 = arith.minsi %min3A, %min3A_101 : vector<16xi32>
      %max3A_110 = arith.maxsi %min3A_99, %min3A_103 : vector<16xi32>
      %min3A_111 = arith.minsi %min3A_99, %min3A_103 : vector<16xi32>
      %max3A_112 = arith.maxsi %max3A_104, %max3A_106 : vector<16xi32>
      %min3A_113 = arith.minsi %max3A_104, %max3A_106 : vector<16xi32>
      %max3A_114 = arith.maxsi %min3A_105, %min3A_107 : vector<16xi32>
      %min3A_115 = arith.minsi %min3A_105, %min3A_107 : vector<16xi32>
      %max3A_116 = arith.maxsi %max3A_108, %max3A_110 : vector<16xi32>
      %min3A_117 = arith.minsi %max3A_108, %max3A_110 : vector<16xi32>
      %max3A_118 = arith.maxsi %min3A_109, %min3A_111 : vector<16xi32>
      %min3A_119 = arith.minsi %min3A_109, %min3A_111 : vector<16xi32>
      %and3A = arith.constant 63 : i32
      %and3A_120 = vector.broadcast %and3A : i32 to vector<16xi32>
      %and3A_121 = arith.andi %max3A_112, %and3A_120 : vector<16xi32>
      %sub3A = arith.constant 63 : i32
      %sub3A_122 = vector.broadcast %sub3A : i32 to vector<16xi32>
      %sub3A_123 = arith.subi %sub3A_122, %and3A_121 : vector<16xi32>
      %xor3A = arith.constant -2147483648 : i32
      %xor3A_124 = vector.broadcast %xor3A : i32 to vector<16xi32>
      %xor3A_125 = arith.xori %max3A_112, %xor3A_124 : vector<16xi32>
      %shift_right_logical3A = arith.constant 6 : i32
      %shift_right_logical3A_126 = vector.broadcast %shift_right_logical3A : i32 to vector<16xi32>
      %shift_right_logical3A_127 = arith.shrui %xor3A_125, %shift_right_logical3A_126 : vector<16xi32>
      %shift_left3A = arith.constant 4 : i32
      %shift_left3A_128 = vector.broadcast %shift_left3A : i32 to vector<16xi32>
      %shift_left3A_129 = arith.shli %shift_right_logical3A_127, %shift_left3A_128 : vector<16xi32>
      %swap3A = arith.constant 0 : i32
      %swap3A_130 = arith.index_cast %swap3A : i32 to index
      %swap3A_131 = arith.index_cast %mul3A_10 : i32 to index
      %swap3A_132 = tpu.vector_load %arg6[%swap3A_130, %swap3A_131] {strides = array<i32>} : memref<8x512xi32, #tpu.memory_space<vmem>>, vector<1x16xi32>,
      %swap3A_133 = vector.shape_cast %swap3A_132 : vector<1x16xi32> to vector<16xi32>
      %swap3A_134 = vector.shape_cast %sub3A_123 : vector<16xi32> to vector<1x16xi32>
      tpu.vector_store %arg6[%swap3A_130, %swap3A_131], %swap3A_134 {strides = array<i32>} : memref<8x512xi32, #tpu.memory_space<vmem>>, vector<1x16xi32>,
      %swap3A_135 = arith.constant 0 : i32
      %swap3A_136 = arith.index_cast %swap3A_135 : i32 to index
      %swap3A_137 = arith.index_cast %mul3A_10 : i32 to index
      %swap3A_138 = tpu.vector_load %arg7[%swap3A_136, %swap3A_137] {strides = array<i32>} : memref<8x512xi32, #tpu.memory_space<vmem>>, vector<1x16xi32>,
      %swap3A_139 = vector.shape_cast %swap3A_138 : vector<1x16xi32> to vector<16xi32>
      %swap3A_140 = vector.shape_cast %shift_left3A_129 : vector<16xi32> to vector<1x16xi32>
      tpu.vector_store %arg7[%swap3A_136, %swap3A_137], %swap3A_140 {strides = array<i32>} : memref<8x512xi32, #tpu.memory_space<vmem>>, vector<1x16xi32>,
      %and3A_141 = arith.constant 63 : i32
      %and3A_142 = vector.broadcast %and3A_141 : i32 to vector<16xi32>
      %and3A_143 = arith.andi %min3A_113, %and3A_142 : vector<16xi32>
      %sub3A_144 = arith.constant 63 : i32
      %sub3A_145 = vector.broadcast %sub3A_144 : i32 to vector<16xi32>
      %sub3A_146 = arith.subi %sub3A_145, %and3A_143 : vector<16xi32>
      %xor3A_147 = arith.constant -2147483648 : i32
      %xor3A_148 = vector.broadcast %xor3A_147 : i32 to vector<16xi32>
      %xor3A_149 = arith.xori %min3A_113, %xor3A_148 : vector<16xi32>
      %shift_right_logical3A_150 = arith.constant 6 : i32
      %shift_right_logical3A_151 = vector.broadcast %shift_right_logical3A_150 : i32 to vector<16xi32>
      %shift_right_logical3A_152 = arith.shrui %xor3A_149, %shift_right_logical3A_151 : vector<16xi32>
      %shift_left3A_153 = arith.constant 4 : i32
      %shift_left3A_154 = vector.broadcast %shift_left3A_153 : i32 to vector<16xi32>
      %shift_left3A_155 = arith.shli %shift_right_logical3A_152, %shift_left3A_154 : vector<16xi32>
      %swap3A_156 = arith.constant 1 : i32
      %swap3A_157 = arith.index_cast %swap3A_156 : i32 to index
      %swap3A_158 = arith.index_cast %mul3A_10 : i32 to index
      %swap3A_159 = tpu.vector_load %arg6[%swap3A_157, %swap3A_158] {strides = array<i32>} : memref<8x512xi32, #tpu.memory_space<vmem>>, vector<1x16xi32>,
      %swap3A_160 = vector.shape_cast %swap3A_159 : vector<1x16xi32> to vector<16xi32>
      %swap3A_161 = vector.shape_cast %sub3A_146 : vector<16xi32> to vector<1x16xi32>
      tpu.vector_store %arg6[%swap3A_157, %swap3A_158], %swap3A_161 {strides = array<i32>} : memref<8x512xi32, #tpu.memory_space<vmem>>, vector<1x16xi32>,
      %swap3A_162 = arith.constant 1 : i32
      %swap3A_163 = arith.index_cast %swap3A_162 : i32 to index
      %swap3A_164 = arith.index_cast %mul3A_10 : i32 to index
      %swap3A_165 = tpu.vector_load %arg7[%swap3A_163, %swap3A_164] {strides = array<i32>} : memref<8x512xi32, #tpu.memory_space<vmem>>, vector<1x16xi32>,
      %swap3A_166 = vector.shape_cast %swap3A_165 : vector<1x16xi32> to vector<16xi32>
      %swap3A_167 = vector.shape_cast %shift_left3A_155 : vector<16xi32> to vector<1x16xi32>
      tpu.vector_store %arg7[%swap3A_163, %swap3A_164], %swap3A_167 {strides = array<i32>} : memref<8x512xi32, #tpu.memory_space<vmem>>, vector<1x16xi32>,
      %and3A_168 = arith.constant 63 : i32
      %and3A_169 = vector.broadcast %and3A_168 : i32 to vector<16xi32>
      %and3A_170 = arith.andi %max3A_114, %and3A_169 : vector<16xi32>
      %sub3A_171 = arith.constant 63 : i32
      %sub3A_172 = vector.broadcast %sub3A_171 : i32 to vector<16xi32>
      %sub3A_173 = arith.subi %sub3A_172, %and3A_170 : vector<16xi32>
      %xor3A_174 = arith.constant -2147483648 : i32
      %xor3A_175 = vector.broadcast %xor3A_174 : i32 to vector<16xi32>
      %xor3A_176 = arith.xori %max3A_114, %xor3A_175 : vector<16xi32>
      %shift_right_logical3A_177 = arith.constant 6 : i32
      %shift_right_logical3A_178 = vector.broadcast %shift_right_logical3A_177 : i32 to vector<16xi32>
      %shift_right_logical3A_179 = arith.shrui %xor3A_176, %shift_right_logical3A_178 : vector<16xi32>
      %shift_left3A_180 = arith.constant 4 : i32
      %shift_left3A_181 = vector.broadcast %shift_left3A_180 : i32 to vector<16xi32>
      %shift_left3A_182 = arith.shli %shift_right_logical3A_179, %shift_left3A_181 : vector<16xi32>
      %swap3A_183 = arith.constant 2 : i32
      %swap3A_184 = arith.index_cast %swap3A_183 : i32 to index
      %swap3A_185 = arith.index_cast %mul3A_10 : i32 to index
      %swap3A_186 = tpu.vector_load %arg6[%swap3A_184, %swap3A_185] {strides = array<i32>} : memref<8x512xi32, #tpu.memory_space<vmem>>, vector<1x16xi32>,
      %swap3A_187 = vector.shape_cast %swap3A_186 : vector<1x16xi32> to vector<16xi32>
      %swap3A_188 = vector.shape_cast %sub3A_173 : vector<16xi32> to vector<1x16xi32>
      tpu.vector_store %arg6[%swap3A_184, %swap3A_185], %swap3A_188 {strides = array<i32>} : memref<8x512xi32, #tpu.memory_space<vmem>>, vector<1x16xi32>,
      %swap3A_189 = arith.constant 2 : i32
      %swap3A_190 = arith.index_cast %swap3A_189 : i32 to index
      %swap3A_191 = arith.index_cast %mul3A_10 : i32 to index
      %swap3A_192 = tpu.vector_load %arg7[%swap3A_190, %swap3A_191] {strides = array<i32>} : memref<8x512xi32, #tpu.memory_space<vmem>>, vector<1x16xi32>,
      %swap3A_193 = vector.shape_cast %swap3A_192 : vector<1x16xi32> to vector<16xi32>
      %swap3A_194 = vector.shape_cast %shift_left3A_182 : vector<16xi32> to vector<1x16xi32>
      tpu.vector_store %arg7[%swap3A_190, %swap3A_191], %swap3A_194 {strides = array<i32>} : memref<8x512xi32, #tpu.memory_space<vmem>>, vector<1x16xi32>,
      %and3A_195 = arith.constant 63 : i32
      %and3A_196 = vector.broadcast %and3A_195 : i32 to vector<16xi32>
      %and3A_197 = arith.andi %min3A_115, %and3A_196 : vector<16xi32>
      %sub3A_198 = arith.constant 63 : i32
      %sub3A_199 = vector.broadcast %sub3A_198 : i32 to vector<16xi32>
      %sub3A_200 = arith.subi %sub3A_199, %and3A_197 : vector<16xi32>
      %xor3A_201 = arith.constant -2147483648 : i32
      %xor3A_202 = vector.broadcast %xor3A_201 : i32 to vector<16xi32>
      %xor3A_203 = arith.xori %min3A_115, %xor3A_202 : vector<16xi32>
      %shift_right_logical3A_204 = arith.constant 6 : i32
      %shift_right_logical3A_205 = vector.broadcast %shift_right_logical3A_204 : i32 to vector<16xi32>
      %shift_right_logical3A_206 = arith.shrui %xor3A_203, %shift_right_logical3A_205 : vector<16xi32>
      %shift_left3A_207 = arith.constant 4 : i32
      %shift_left3A_208 = vector.broadcast %shift_left3A_207 : i32 to vector<16xi32>
      %shift_left3A_209 = arith.shli %shift_right_logical3A_206, %shift_left3A_208 : vector<16xi32>
      %swap3A_210 = arith.constant 3 : i32
      %swap3A_211 = arith.index_cast %swap3A_210 : i32 to index
      %swap3A_212 = arith.index_cast %mul3A_10 : i32 to index
      %swap3A_213 = tpu.vector_load %arg6[%swap3A_211, %swap3A_212] {strides = array<i32>} : memref<8x512xi32, #tpu.memory_space<vmem>>, vector<1x16xi32>,
      %swap3A_214 = vector.shape_cast %swap3A_213 : vector<1x16xi32> to vector<16xi32>
      %swap3A_215 = vector.shape_cast %sub3A_200 : vector<16xi32> to vector<1x16xi32>
      tpu.vector_store %arg6[%swap3A_211, %swap3A_212], %swap3A_215 {strides = array<i32>} : memref<8x512xi32, #tpu.memory_space<vmem>>, vector<1x16xi32>,
      %swap3A_216 = arith.constant 3 : i32
      %swap3A_217 = arith.index_cast %swap3A_216 : i32 to index
      %swap3A_218 = arith.index_cast %mul3A_10 : i32 to index
      %swap3A_219 = tpu.vector_load %arg7[%swap3A_217, %swap3A_218] {strides = array<i32>} : memref<8x512xi32, #tpu.memory_space<vmem>>, vector<1x16xi32>,
      %swap3A_220 = vector.shape_cast %swap3A_219 : vector<1x16xi32> to vector<16xi32>
      %swap3A_221 = vector.shape_cast %shift_left3A_209 : vector<16xi32> to vector<1x16xi32>
      tpu.vector_store %arg7[%swap3A_217, %swap3A_218], %swap3A_221 {strides = array<i32>} : memref<8x512xi32, #tpu.memory_space<vmem>>, vector<1x16xi32>,
      %and3A_222 = arith.constant 63 : i32
      %and3A_223 = vector.broadcast %and3A_222 : i32 to vector<16xi32>
      %and3A_224 = arith.andi %max3A_116, %and3A_223 : vector<16xi32>
      %sub3A_225 = arith.constant 63 : i32
      %sub3A_226 = vector.broadcast %sub3A_225 : i32 to vector<16xi32>
      %sub3A_227 = arith.subi %sub3A_226, %and3A_224 : vector<16xi32>
      %xor3A_228 = arith.constant -2147483648 : i32
      %xor3A_229 = vector.broadcast %xor3A_228 : i32 to vector<16xi32>
      %xor3A_230 = arith.xori %max3A_116, %xor3A_229 : vector<16xi32>
      %shift_right_logical3A_231 = arith.constant 6 : i32
      %shift_right_logical3A_232 = vector.broadcast %shift_right_logical3A_231 : i32 to vector<16xi32>
      %shift_right_logical3A_233 = arith.shrui %xor3A_230, %shift_right_logical3A_232 : vector<16xi32>
      %shift_left3A_234 = arith.constant 4 : i32
      %shift_left3A_235 = vector.broadcast %shift_left3A_234 : i32 to vector<16xi32>
      %shift_left3A_236 = arith.shli %shift_right_logical3A_233, %shift_left3A_235 : vector<16xi32>
      %swap3A_237 = arith.constant 4 : i32
      %swap3A_238 = arith.index_cast %swap3A_237 : i32 to index
      %swap3A_239 = arith.index_cast %mul3A_10 : i32 to index
      %swap3A_240 = tpu.vector_load %arg6[%swap3A_238, %swap3A_239] {strides = array<i32>} : memref<8x512xi32, #tpu.memory_space<vmem>>, vector<1x16xi32>,
      %swap3A_241 = vector.shape_cast %swap3A_240 : vector<1x16xi32> to vector<16xi32>
      %swap3A_242 = vector.shape_cast %sub3A_227 : vector<16xi32> to vector<1x16xi32>
      tpu.vector_store %arg6[%swap3A_238, %swap3A_239], %swap3A_242 {strides = array<i32>} : memref<8x512xi32, #tpu.memory_space<vmem>>, vector<1x16xi32>,
      %swap3A_243 = arith.constant 4 : i32
      %swap3A_244 = arith.index_cast %swap3A_243 : i32 to index
      %swap3A_245 = arith.index_cast %mul3A_10 : i32 to index
      %swap3A_246 = tpu.vector_load %arg7[%swap3A_244, %swap3A_245] {strides = array<i32>} : memref<8x512xi32, #tpu.memory_space<vmem>>, vector<1x16xi32>,
      %swap3A_247 = vector.shape_cast %swap3A_246 : vector<1x16xi32> to vector<16xi32>
      %swap3A_248 = vector.shape_cast %shift_left3A_236 : vector<16xi32> to vector<1x16xi32>
      tpu.vector_store %arg7[%swap3A_244, %swap3A_245], %swap3A_248 {strides = array<i32>} : memref<8x512xi32, #tpu.memory_space<vmem>>, vector<1x16xi32>,
      %and3A_249 = arith.constant 63 : i32
      %and3A_250 = vector.broadcast %and3A_249 : i32 to vector<16xi32>
      %and3A_251 = arith.andi %min3A_117, %and3A_250 : vector<16xi32>
      %sub3A_252 = arith.constant 63 : i32
      %sub3A_253 = vector.broadcast %sub3A_252 : i32 to vector<16xi32>
      %sub3A_254 = arith.subi %sub3A_253, %and3A_251 : vector<16xi32>
      %xor3A_255 = arith.constant -2147483648 : i32
      %xor3A_256 = vector.broadcast %xor3A_255 : i32 to vector<16xi32>
      %xor3A_257 = arith.xori %min3A_117, %xor3A_256 : vector<16xi32>
      %shift_right_logical3A_258 = arith.constant 6 : i32
      %shift_right_logical3A_259 = vector.broadcast %shift_right_logical3A_258 : i32 to vector<16xi32>
      %shift_right_logical3A_260 = arith.shrui %xor3A_257, %shift_right_logical3A_259 : vector<16xi32>
      %shift_left3A_261 = arith.constant 4 : i32
      %shift_left3A_262 = vector.broadcast %shift_left3A_261 : i32 to vector<16xi32>
      %shift_left3A_263 = arith.shli %shift_right_logical3A_260, %shift_left3A_262 : vector<16xi32>
      %swap3A_264 = arith.constant 5 : i32
      %swap3A_265 = arith.index_cast %swap3A_264 : i32 to index
      %swap3A_266 = arith.index_cast %mul3A_10 : i32 to index
      %swap3A_267 = tpu.vector_load %arg6[%swap3A_265, %swap3A_266] {strides = array<i32>} : memref<8x512xi32, #tpu.memory_space<vmem>>, vector<1x16xi32>,
      %swap3A_268 = vector.shape_cast %swap3A_267 : vector<1x16xi32> to vector<16xi32>
      %swap3A_269 = vector.shape_cast %sub3A_254 : vector<16xi32> to vector<1x16xi32>
      tpu.vector_store %arg6[%swap3A_265, %swap3A_266], %swap3A_269 {strides = array<i32>} : memref<8x512xi32, #tpu.memory_space<vmem>>, vector<1x16xi32>,
      %swap3A_270 = arith.constant 5 : i32
      %swap3A_271 = arith.index_cast %swap3A_270 : i32 to index
      %swap3A_272 = arith.index_cast %mul3A_10 : i32 to index
      %swap3A_273 = tpu.vector_load %arg7[%swap3A_271, %swap3A_272] {strides = array<i32>} : memref<8x512xi32, #tpu.memory_space<vmem>>, vector<1x16xi32>,
      %swap3A_274 = vector.shape_cast %swap3A_273 : vector<1x16xi32> to vector<16xi32>
      %swap3A_275 = vector.shape_cast %shift_left3A_263 : vector<16xi32> to vector<1x16xi32>
      tpu.vector_store %arg7[%swap3A_271, %swap3A_272], %swap3A_275 {strides = array<i32>} : memref<8x512xi32, #tpu.memory_space<vmem>>, vector<1x16xi32>,
      %and3A_276 = arith.constant 63 : i32
      %and3A_277 = vector.broadcast %and3A_276 : i32 to vector<16xi32>
      %and3A_278 = arith.andi %max3A_118, %and3A_277 : vector<16xi32>
      %sub3A_279 = arith.constant 63 : i32
      %sub3A_280 = vector.broadcast %sub3A_279 : i32 to vector<16xi32>
      %sub3A_281 = arith.subi %sub3A_280, %and3A_278 : vector<16xi32>
      %xor3A_282 = arith.constant -2147483648 : i32
      %xor3A_283 = vector.broadcast %xor3A_282 : i32 to vector<16xi32>
      %xor3A_284 = arith.xori %max3A_118, %xor3A_283 : vector<16xi32>
      %shift_right_logical3A_285 = arith.constant 6 : i32
      %shift_right_logical3A_286 = vector.broadcast %shift_right_logical3A_285 : i32 to vector<16xi32>
      %shift_right_logical3A_287 = arith.shrui %xor3A_284, %shift_right_logical3A_286 : vector<16xi32>
      %shift_left3A_288 = arith.constant 4 : i32
      %shift_left3A_289 = vector.broadcast %shift_left3A_288 : i32 to vector<16xi32>
      %shift_left3A_290 = arith.shli %shift_right_logical3A_287, %shift_left3A_289 : vector<16xi32>
      %swap3A_291 = arith.constant 6 : i32
      %swap3A_292 = arith.index_cast %swap3A_291 : i32 to index
      %swap3A_293 = arith.index_cast %mul3A_10 : i32 to index
      %swap3A_294 = tpu.vector_load %arg6[%swap3A_292, %swap3A_293] {strides = array<i32>} : memref<8x512xi32, #tpu.memory_space<vmem>>, vector<1x16xi32>,
      %swap3A_295 = vector.shape_cast %swap3A_294 : vector<1x16xi32> to vector<16xi32>
      %swap3A_296 = vector.shape_cast %sub3A_281 : vector<16xi32> to vector<1x16xi32>
      tpu.vector_store %arg6[%swap3A_292, %swap3A_293], %swap3A_296 {strides = array<i32>} : memref<8x512xi32, #tpu.memory_space<vmem>>, vector<1x16xi32>,
      %swap3A_297 = arith.constant 6 : i32
      %swap3A_298 = arith.index_cast %swap3A_297 : i32 to index
      %swap3A_299 = arith.index_cast %mul3A_10 : i32 to index
      %swap3A_300 = tpu.vector_load %arg7[%swap3A_298, %swap3A_299] {strides = array<i32>} : memref<8x512xi32, #tpu.memory_space<vmem>>, vector<1x16xi32>,
      %swap3A_301 = vector.shape_cast %swap3A_300 : vector<1x16xi32> to vector<16xi32>
      %swap3A_302 = vector.shape_cast %shift_left3A_290 : vector<16xi32> to vector<1x16xi32>
      tpu.vector_store %arg7[%swap3A_298, %swap3A_299], %swap3A_302 {strides = array<i32>} : memref<8x512xi32, #tpu.memory_space<vmem>>, vector<1x16xi32>,
      %and3A_303 = arith.constant 63 : i32
      %and3A_304 = vector.broadcast %and3A_303 : i32 to vector<16xi32>
      %and3A_305 = arith.andi %min3A_119, %and3A_304 : vector<16xi32>
      %sub3A_306 = arith.constant 63 : i32
      %sub3A_307 = vector.broadcast %sub3A_306 : i32 to vector<16xi32>
      %sub3A_308 = arith.subi %sub3A_307, %and3A_305 : vector<16xi32>
      %xor3A_309 = arith.constant -2147483648 : i32
      %xor3A_310 = vector.broadcast %xor3A_309 : i32 to vector<16xi32>
      %xor3A_311 = arith.xori %min3A_119, %xor3A_310 : vector<16xi32>
      %shift_right_logical3A_312 = arith.constant 6 : i32
      %shift_right_logical3A_313 = vector.broadcast %shift_right_logical3A_312 : i32 to vector<16xi32>
      %shift_right_logical3A_314 = arith.shrui %xor3A_311, %shift_right_logical3A_313 : vector<16xi32>
      %shift_left3A_315 = arith.constant 4 : i32
      %shift_left3A_316 = vector.broadcast %shift_left3A_315 : i32 to vector<16xi32>
      %shift_left3A_317 = arith.shli %shift_right_logical3A_314, %shift_left3A_316 : vector<16xi32>
      %swap3A_318 = arith.constant 7 : i32
      %swap3A_319 = arith.index_cast %swap3A_318 : i32 to index
      %swap3A_320 = arith.index_cast %mul3A_10 : i32 to index
      %swap3A_321 = tpu.vector_load %arg6[%swap3A_319, %swap3A_320] {strides = array<i32>} : memref<8x512xi32, #tpu.memory_space<vmem>>, vector<1x16xi32>,
      %swap3A_322 = vector.shape_cast %swap3A_321 : vector<1x16xi32> to vector<16xi32>
      %swap3A_323 = vector.shape_cast %sub3A_308 : vector<16xi32> to vector<1x16xi32>
      tpu.vector_store %arg6[%swap3A_319, %swap3A_320], %swap3A_323 {strides = array<i32>} : memref<8x512xi32, #tpu.memory_space<vmem>>, vector<1x16xi32>,
      %swap3A_324 = arith.constant 7 : i32
      %swap3A_325 = arith.index_cast %swap3A_324 : i32 to index
      %swap3A_326 = arith.index_cast %mul3A_10 : i32 to index
      %swap3A_327 = tpu.vector_load %arg7[%swap3A_325, %swap3A_326] {strides = array<i32>} : memref<8x512xi32, #tpu.memory_space<vmem>>, vector<1x16xi32>,
      %swap3A_328 = vector.shape_cast %swap3A_327 : vector<1x16xi32> to vector<16xi32>
      %swap3A_329 = vector.shape_cast %shift_left3A_317 : vector<16xi32> to vector<1x16xi32>
      tpu.vector_store %arg7[%swap3A_325, %swap3A_326], %swap3A_329 {strides = array<i32>} : memref<8x512xi32, #tpu.memory_space<vmem>>, vector<1x16xi32>,
    }
    %scan3A_7 = arith.constant 32 : i32
    "tpu.region"() ({
      %run_scoped3A = tpu.sem_alloc : memref<!tpu.dma_semaphore, #tpu.memory_space<semaphore_mem>>
      %dma_start3A = arith.constant 0 : i32
      %dma_start3A_8 = tpu.memref_slice %arg3[%dma_start3A, %mul3A_2] : memref<8x16384xi32, #tpu.memory_space<hbm>> -> memref<8x512xi32, #tpu.memory_space<hbm>>
      %dma_start3A_9 = arith.constant 0 : i32
      %dma_start3A_10 = tpu.memref_slice %arg3[%dma_start3A_9, %mul3A_2] : memref<8x16384xi32, #tpu.memory_space<hbm>> -> memref<8x512xi32, #tpu.memory_space<hbm>>
      tpu.enqueue_dma source(%arg6 : memref<8x512xi32, #tpu.memory_space<vmem>>) target(%dma_start3A_10 : memref<8x512xi32, #tpu.memory_space<hbm>>) target_semaphore(%run_scoped3A : memref<!tpu.dma_semaphore, #tpu.memory_space<semaphore_mem>>)
      %dma_wait3A = arith.constant 0 : i32
      %dma_wait3A_11 = tpu.memref_slice %arg3[%dma_wait3A, %mul3A_2] : memref<8x16384xi32, #tpu.memory_space<hbm>> -> memref<8x512xi32, #tpu.memory_space<hbm>>
      %dma_wait3A_12 = arith.constant 0 : i32
      %dma_wait3A_13 = tpu.memref_slice %arg3[%dma_wait3A_12, %mul3A_2] : memref<8x16384xi32, #tpu.memory_space<hbm>> -> memref<8x512xi32, #tpu.memory_space<hbm>>
      tpu.wait_dma2 semaphore(%run_scoped3A : memref<!tpu.dma_semaphore, #tpu.memory_space<semaphore_mem>>) src(%arg6 : memref<8x512xi32, #tpu.memory_space<vmem>>) dst(%dma_wait3A_13 : memref<8x512xi32, #tpu.memory_space<hbm>>)
      tpu.yield
    }) : () -> ()
    "tpu.region"() ({
      %run_scoped3A = tpu.sem_alloc : memref<!tpu.dma_semaphore, #tpu.memory_space<semaphore_mem>>
      %dma_start3A = arith.constant 0 : i32
      %dma_start3A_8 = tpu.memref_slice %arg4[%dma_start3A, %mul3A_2] : memref<8x16384xi32, #tpu.memory_space<hbm>> -> memref<8x512xi32, #tpu.memory_space<hbm>>
      %dma_start3A_9 = arith.constant 0 : i32
      %dma_start3A_10 = tpu.memref_slice %arg4[%dma_start3A_9, %mul3A_2] : memref<8x16384xi32, #tpu.memory_space<hbm>> -> memref<8x512xi32, #tpu.memory_space<hbm>>
      tpu.enqueue_dma source(%arg7 : memref<8x512xi32, #tpu.memory_space<vmem>>) target(%dma_start3A_10 : memref<8x512xi32, #tpu.memory_space<hbm>>) target_semaphore(%run_scoped3A : memref<!tpu.dma_semaphore, #tpu.memory_space<semaphore_mem>>)
      %dma_wait3A = arith.constant 0 : i32
      %dma_wait3A_11 = tpu.memref_slice %arg4[%dma_wait3A, %mul3A_2] : memref<8x16384xi32, #tpu.memory_space<hbm>> -> memref<8x512xi32, #tpu.memory_space<hbm>>
      %dma_wait3A_12 = arith.constant 0 : i32
      %dma_wait3A_13 = tpu.memref_slice %arg4[%dma_wait3A_12, %mul3A_2] : memref<8x16384xi32, #tpu.memory_space<hbm>> -> memref<8x512xi32, #tpu.memory_space<hbm>>
      tpu.wait_dma2 semaphore(%run_scoped3A : memref<!tpu.dma_semaphore, #tpu.memory_space<semaphore_mem>>) src(%arg7 : memref<8x512xi32, #tpu.memory_space<vmem>>) dst(%dma_wait3A_13 : memref<8x512xi32, #tpu.memory_space<hbm>>)
      tpu.yield
    }) : () -> ()
    return
  }
}

module attributes {stable_mosaic.version = 14 : i64} {
  func.func @_tc_keys_body(%arg0: i32, %arg1: memref<1024x2048xf32, #tpu.memory_space<vmem>>, %arg2: memref<64x2048xf32, #tpu.memory_space<vmem>>, %arg3: memref<2x16x512xi32, #tpu.memory_space<vmem>>) attributes {dimension_semantics = [#tpu.dimension_semantics<arbitrary>], iteration_bounds = array<i64: 16>, scalar_prefetch = 0 : i64, scratch_operands = 0 : i64, tpu.core_type = #tpu.core_type<tc>, window_params = [{transform_indices = @transform_0, window_bounds = array<i64: 1024, 2048>}, {pipeline_mode = #tpu.pipeline_mode<synchronous>, transform_indices = @transform_1, window_bounds = array<i64: 64, 2048>}, {transform_indices = @transform_2, window_bounds = array<i64: 2, 16, 512>}]} {
    %get3A = arith.constant 0 : index
    %get3A_0 = arith.constant 0 : index
    %get3A_1 = vector.load %arg2[%get3A, %get3A_0] : memref<64x2048xf32, #tpu.memory_space<vmem>>, vector<64x2048xf32>
    %get3A_2 = arith.constant 0 : index
    %get3A_3 = arith.constant 0 : index
    %get3A_4 = vector.load %arg1[%get3A_2, %get3A_3] : memref<1024x2048xf32, #tpu.memory_space<vmem>>, vector<1024x2048xf32>
    %dot_general3A = arith.constant dense<0.000000e+00> : vector<64x1024xf32>
    %dot_general3A_5 = tpu.matmul %get3A_1, %get3A_4, %dot_general3A {dimension_numbers = #tpu.dot_dimension_numbers<[1], [1], [0], [0], [0, 0, 1, 0], [], []>, transpose_lhs_hint = false} : vector<64x2048xf32>, vector<1024x2048xf32>, vector<64x1024xf32> -> vector<64x1024xf32>
    %reduce_max3A = arith.constant dense<0xFF800000> : vector<1024xf32>
    %reduce_max3A_6 = vector.multi_reduction <maximumf>, %dot_general3A_5, %reduce_max3A [0] : vector<64x1024xf32> to vector<1024xf32>
    %broadcast_in_dim3A = vector.shape_cast %reduce_max3A_6 : vector<1024xf32> to vector<1x1024xf32>
    %sub3A = vector.broadcast %broadcast_in_dim3A : vector<1x1024xf32> to vector<64x1024xf32>
    %sub3A_7 = arith.subf %dot_general3A_5, %sub3A : vector<64x1024xf32>
    %exp3A = math.exp %sub3A_7 : vector<64x1024xf32>
    %reduce_sum3A = arith.constant dense<0.000000e+00> : vector<1024xf32>
    %reduce_sum3A_8 = vector.multi_reduction <add>, %exp3A, %reduce_sum3A [0] : vector<64x1024xf32> to vector<1024xf32>
    %broadcast_in_dim3A_9 = vector.shape_cast %reduce_sum3A_8 : vector<1024xf32> to vector<1x1024xf32>
    %div3A = vector.broadcast %broadcast_in_dim3A_9 : vector<1x1024xf32> to vector<64x1024xf32>
    %div3A_10 = arith.divf %exp3A, %div3A : vector<64x1024xf32>
    %bitcast_convert_type3A = tpu.bitcast %div3A_10 : vector<64x1024xf32> -> vector<64x1024xi32>
    %iota3A = tpu.iota {dimensions = array<i32: 0>} : vector<64x1024xi32>
    %sub3A_11 = arith.constant 63 : i32
    %sub3A_12 = vector.broadcast %sub3A_11 : i32 to vector<64x1024xi32>
    %sub3A_13 = arith.subi %sub3A_12, %iota3A : vector<64x1024xi32>
    %shift_right_logical3A = arith.constant 4 : i32
    %shift_right_logical3A_14 = vector.broadcast %shift_right_logical3A : i32 to vector<64x1024xi32>
    %shift_right_logical3A_15 = arith.shrui %bitcast_convert_type3A, %shift_right_logical3A_14 : vector<64x1024xi32>
    %shift_left3A = arith.constant 6 : i32
    %shift_left3A_16 = vector.broadcast %shift_left3A : i32 to vector<64x1024xi32>
    %shift_left3A_17 = arith.shli %shift_right_logical3A_15, %shift_left3A_16 : vector<64x1024xi32>
    %or3A = arith.ori %shift_left3A_17, %sub3A_13 : vector<64x1024xi32>
    %xor3A = arith.constant -2147483648 : i32
    %xor3A_18 = vector.broadcast %xor3A : i32 to vector<64x1024xi32>
    %xor3A_19 = arith.xori %or3A, %xor3A_18 : vector<64x1024xi32>
    %bitcast_convert_type3A_20 = tpu.bitcast %xor3A_19 : vector<64x1024xi32> -> vector<64x1024xi32>
    %slice3A = vector.extract_strided_slice %bitcast_convert_type3A_20 {offsets = [0, 0], sizes = [8, 1024], strides = [1, 1]} : vector<64x1024xi32> to vector<8x1024xi32>
    %slice3A_21 = vector.extract_strided_slice %bitcast_convert_type3A_20 {offsets = [8, 0], sizes = [8, 1024], strides = [1, 1]} : vector<64x1024xi32> to vector<8x1024xi32>
    %slice3A_22 = vector.extract_strided_slice %bitcast_convert_type3A_20 {offsets = [16, 0], sizes = [8, 1024], strides = [1, 1]} : vector<64x1024xi32> to vector<8x1024xi32>
    %slice3A_23 = vector.extract_strided_slice %bitcast_convert_type3A_20 {offsets = [24, 0], sizes = [8, 1024], strides = [1, 1]} : vector<64x1024xi32> to vector<8x1024xi32>
    %slice3A_24 = vector.extract_strided_slice %bitcast_convert_type3A_20 {offsets = [32, 0], sizes = [8, 1024], strides = [1, 1]} : vector<64x1024xi32> to vector<8x1024xi32>
    %slice3A_25 = vector.extract_strided_slice %bitcast_convert_type3A_20 {offsets = [40, 0], sizes = [8, 1024], strides = [1, 1]} : vector<64x1024xi32> to vector<8x1024xi32>
    %slice3A_26 = vector.extract_strided_slice %bitcast_convert_type3A_20 {offsets = [48, 0], sizes = [8, 1024], strides = [1, 1]} : vector<64x1024xi32> to vector<8x1024xi32>
    %slice3A_27 = vector.extract_strided_slice %bitcast_convert_type3A_20 {offsets = [56, 0], sizes = [8, 1024], strides = [1, 1]} : vector<64x1024xi32> to vector<8x1024xi32>
    %max3A = arith.maxsi %slice3A, %slice3A_21 : vector<8x1024xi32>
    %min3A = arith.minsi %slice3A, %slice3A_21 : vector<8x1024xi32>
    %max3A_28 = arith.maxsi %slice3A_22, %slice3A_23 : vector<8x1024xi32>
    %min3A_29 = arith.minsi %slice3A_22, %slice3A_23 : vector<8x1024xi32>
    %max3A_30 = arith.maxsi %slice3A_24, %slice3A_25 : vector<8x1024xi32>
    %min3A_31 = arith.minsi %slice3A_24, %slice3A_25 : vector<8x1024xi32>
    %max3A_32 = arith.maxsi %slice3A_26, %slice3A_27 : vector<8x1024xi32>
    %min3A_33 = arith.minsi %slice3A_26, %slice3A_27 : vector<8x1024xi32>
    %max3A_34 = arith.maxsi %max3A, %max3A_28 : vector<8x1024xi32>
    %min3A_35 = arith.minsi %max3A, %max3A_28 : vector<8x1024xi32>
    %max3A_36 = arith.maxsi %min3A, %min3A_29 : vector<8x1024xi32>
    %min3A_37 = arith.minsi %min3A, %min3A_29 : vector<8x1024xi32>
    %max3A_38 = arith.maxsi %max3A_30, %max3A_32 : vector<8x1024xi32>
    %min3A_39 = arith.minsi %max3A_30, %max3A_32 : vector<8x1024xi32>
    %max3A_40 = arith.maxsi %min3A_31, %min3A_33 : vector<8x1024xi32>
    %min3A_41 = arith.minsi %min3A_31, %min3A_33 : vector<8x1024xi32>
    %max3A_42 = arith.maxsi %max3A_36, %min3A_35 : vector<8x1024xi32>
    %min3A_43 = arith.minsi %max3A_36, %min3A_35 : vector<8x1024xi32>
    %max3A_44 = arith.maxsi %max3A_40, %min3A_39 : vector<8x1024xi32>
    %min3A_45 = arith.minsi %max3A_40, %min3A_39 : vector<8x1024xi32>
    %max3A_46 = arith.maxsi %max3A_34, %max3A_38 : vector<8x1024xi32>
    %min3A_47 = arith.minsi %max3A_34, %max3A_38 : vector<8x1024xi32>
    %max3A_48 = arith.maxsi %max3A_42, %max3A_44 : vector<8x1024xi32>
    %min3A_49 = arith.minsi %max3A_42, %max3A_44 : vector<8x1024xi32>
    %max3A_50 = arith.maxsi %min3A_43, %min3A_45 : vector<8x1024xi32>
    %min3A_51 = arith.minsi %min3A_43, %min3A_45 : vector<8x1024xi32>
    %max3A_52 = arith.maxsi %min3A_37, %min3A_41 : vector<8x1024xi32>
    %min3A_53 = arith.minsi %min3A_37, %min3A_41 : vector<8x1024xi32>
    %max3A_54 = arith.maxsi %max3A_50, %min3A_47 : vector<8x1024xi32>
    %min3A_55 = arith.minsi %max3A_50, %min3A_47 : vector<8x1024xi32>
    %max3A_56 = arith.maxsi %max3A_52, %min3A_49 : vector<8x1024xi32>
    %min3A_57 = arith.minsi %max3A_52, %min3A_49 : vector<8x1024xi32>
    %max3A_58 = arith.maxsi %max3A_48, %max3A_54 : vector<8x1024xi32>
    %min3A_59 = arith.minsi %max3A_48, %max3A_54 : vector<8x1024xi32>
    %max3A_60 = arith.maxsi %max3A_56, %min3A_55 : vector<8x1024xi32>
    %min3A_61 = arith.minsi %max3A_56, %min3A_55 : vector<8x1024xi32>
    %max3A_62 = arith.maxsi %min3A_57, %min3A_51 : vector<8x1024xi32>
    %min3A_63 = arith.minsi %min3A_57, %min3A_51 : vector<8x1024xi32>
    %slice3A_64 = vector.extract_strided_slice %min3A_53 {offsets = [4, 0], sizes = [4, 1024], strides = [1, 1]} : vector<8x1024xi32> to vector<4x1024xi32>
    %slice3A_65 = vector.extract_strided_slice %min3A_53 {offsets = [0, 0], sizes = [4, 1024], strides = [1, 1]} : vector<8x1024xi32> to vector<4x1024xi32>
    %concatenate3A = tpu.concatenate %slice3A_64, %slice3A_65 in 0 : vector<4x1024xi32>, vector<4x1024xi32> -> vector<8x1024xi32>
    %max3A_66 = arith.maxsi %max3A_46, %concatenate3A : vector<8x1024xi32>
    %slice3A_67 = vector.extract_strided_slice %min3A_63 {offsets = [4, 0], sizes = [4, 1024], strides = [1, 1]} : vector<8x1024xi32> to vector<4x1024xi32>
    %slice3A_68 = vector.extract_strided_slice %min3A_63 {offsets = [0, 0], sizes = [4, 1024], strides = [1, 1]} : vector<8x1024xi32> to vector<4x1024xi32>
    %concatenate3A_69 = tpu.concatenate %slice3A_67, %slice3A_68 in 0 : vector<4x1024xi32>, vector<4x1024xi32> -> vector<8x1024xi32>
    %max3A_70 = arith.maxsi %max3A_58, %concatenate3A_69 : vector<8x1024xi32>
    %slice3A_71 = vector.extract_strided_slice %max3A_62 {offsets = [4, 0], sizes = [4, 1024], strides = [1, 1]} : vector<8x1024xi32> to vector<4x1024xi32>
    %slice3A_72 = vector.extract_strided_slice %max3A_62 {offsets = [0, 0], sizes = [4, 1024], strides = [1, 1]} : vector<8x1024xi32> to vector<4x1024xi32>
    %concatenate3A_73 = tpu.concatenate %slice3A_71, %slice3A_72 in 0 : vector<4x1024xi32>, vector<4x1024xi32> -> vector<8x1024xi32>
    %max3A_74 = arith.maxsi %min3A_59, %concatenate3A_73 : vector<8x1024xi32>
    %slice3A_75 = vector.extract_strided_slice %min3A_61 {offsets = [4, 0], sizes = [4, 1024], strides = [1, 1]} : vector<8x1024xi32> to vector<4x1024xi32>
    %slice3A_76 = vector.extract_strided_slice %min3A_61 {offsets = [0, 0], sizes = [4, 1024], strides = [1, 1]} : vector<8x1024xi32> to vector<4x1024xi32>
    %concatenate3A_77 = tpu.concatenate %slice3A_75, %slice3A_76 in 0 : vector<4x1024xi32>, vector<4x1024xi32> -> vector<8x1024xi32>
    %max3A_78 = arith.maxsi %max3A_60, %concatenate3A_77 : vector<8x1024xi32>
    %slice3A_79 = vector.extract_strided_slice %max3A_60 {offsets = [4, 0], sizes = [4, 1024], strides = [1, 1]} : vector<8x1024xi32> to vector<4x1024xi32>
    %slice3A_80 = vector.extract_strided_slice %max3A_60 {offsets = [0, 0], sizes = [4, 1024], strides = [1, 1]} : vector<8x1024xi32> to vector<4x1024xi32>
    %concatenate3A_81 = tpu.concatenate %slice3A_79, %slice3A_80 in 0 : vector<4x1024xi32>, vector<4x1024xi32> -> vector<8x1024xi32>
    %max3A_82 = arith.maxsi %min3A_61, %concatenate3A_81 : vector<8x1024xi32>
    %slice3A_83 = vector.extract_strided_slice %min3A_59 {offsets = [4, 0], sizes = [4, 1024], strides = [1, 1]} : vector<8x1024xi32> to vector<4x1024xi32>
    %slice3A_84 = vector.extract_strided_slice %min3A_59 {offsets = [0, 0], sizes = [4, 1024], strides = [1, 1]} : vector<8x1024xi32> to vector<4x1024xi32>
    %concatenate3A_85 = tpu.concatenate %slice3A_83, %slice3A_84 in 0 : vector<4x1024xi32>, vector<4x1024xi32> -> vector<8x1024xi32>
    %max3A_86 = arith.maxsi %max3A_62, %concatenate3A_85 : vector<8x1024xi32>
    %slice3A_87 = vector.extract_strided_slice %max3A_58 {offsets = [4, 0], sizes = [4, 1024], strides = [1, 1]} : vector<8x1024xi32> to vector<4x1024xi32>
    %slice3A_88 = vector.extract_strided_slice %max3A_58 {offsets = [0, 0], sizes = [4, 1024], strides = [1, 1]} : vector<8x1024xi32> to vector<4x1024xi32>
    %concatenate3A_89 = tpu.concatenate %slice3A_87, %slice3A_88 in 0 : vector<4x1024xi32>, vector<4x1024xi32> -> vector<8x1024xi32>
    %max3A_90 = arith.maxsi %min3A_63, %concatenate3A_89 : vector<8x1024xi32>
    %slice3A_91 = vector.extract_strided_slice %max3A_46 {offsets = [4, 0], sizes = [4, 1024], strides = [1, 1]} : vector<8x1024xi32> to vector<4x1024xi32>
    %slice3A_92 = vector.extract_strided_slice %max3A_46 {offsets = [0, 0], sizes = [4, 1024], strides = [1, 1]} : vector<8x1024xi32> to vector<4x1024xi32>
    %concatenate3A_93 = tpu.concatenate %slice3A_91, %slice3A_92 in 0 : vector<4x1024xi32>, vector<4x1024xi32> -> vector<8x1024xi32>
    %max3A_94 = arith.maxsi %min3A_53, %concatenate3A_93 : vector<8x1024xi32>
    %max3A_95 = arith.maxsi %max3A_66, %max3A_82 : vector<8x1024xi32>
    %min3A_96 = arith.minsi %max3A_66, %max3A_82 : vector<8x1024xi32>
    %max3A_97 = arith.maxsi %max3A_70, %max3A_86 : vector<8x1024xi32>
    %min3A_98 = arith.minsi %max3A_70, %max3A_86 : vector<8x1024xi32>
    %max3A_99 = arith.maxsi %max3A_74, %max3A_90 : vector<8x1024xi32>
    %min3A_100 = arith.minsi %max3A_74, %max3A_90 : vector<8x1024xi32>
    %max3A_101 = arith.maxsi %max3A_78, %max3A_94 : vector<8x1024xi32>
    %min3A_102 = arith.minsi %max3A_78, %max3A_94 : vector<8x1024xi32>
    %max3A_103 = arith.maxsi %max3A_95, %max3A_99 : vector<8x1024xi32>
    %min3A_104 = arith.minsi %max3A_95, %max3A_99 : vector<8x1024xi32>
    %max3A_105 = arith.maxsi %max3A_97, %max3A_101 : vector<8x1024xi32>
    %min3A_106 = arith.minsi %max3A_97, %max3A_101 : vector<8x1024xi32>
    %max3A_107 = arith.maxsi %min3A_96, %min3A_100 : vector<8x1024xi32>
    %min3A_108 = arith.minsi %min3A_96, %min3A_100 : vector<8x1024xi32>
    %max3A_109 = arith.maxsi %min3A_98, %min3A_102 : vector<8x1024xi32>
    %min3A_110 = arith.minsi %min3A_98, %min3A_102 : vector<8x1024xi32>
    %max3A_111 = arith.maxsi %max3A_103, %max3A_105 : vector<8x1024xi32>
    %min3A_112 = arith.minsi %max3A_103, %max3A_105 : vector<8x1024xi32>
    %max3A_113 = arith.maxsi %min3A_104, %min3A_106 : vector<8x1024xi32>
    %min3A_114 = arith.minsi %min3A_104, %min3A_106 : vector<8x1024xi32>
    %max3A_115 = arith.maxsi %max3A_107, %max3A_109 : vector<8x1024xi32>
    %min3A_116 = arith.minsi %max3A_107, %max3A_109 : vector<8x1024xi32>
    %max3A_117 = arith.maxsi %min3A_108, %min3A_110 : vector<8x1024xi32>
    %min3A_118 = arith.minsi %min3A_108, %min3A_110 : vector<8x1024xi32>
    %slice3A_119 = vector.extract_strided_slice %min3A_118 {offsets = [2, 0], sizes = [6, 1024], strides = [1, 1]} : vector<8x1024xi32> to vector<6x1024xi32>
    %slice3A_120 = vector.extract_strided_slice %min3A_118 {offsets = [0, 0], sizes = [2, 1024], strides = [1, 1]} : vector<8x1024xi32> to vector<2x1024xi32>
    %concatenate3A_121 = tpu.concatenate %slice3A_119, %slice3A_120 in 0 : vector<6x1024xi32>, vector<2x1024xi32> -> vector<8x1024xi32>
    %max3A_122 = arith.maxsi %max3A_111, %concatenate3A_121 : vector<8x1024xi32>
    %slice3A_123 = vector.extract_strided_slice %max3A_117 {offsets = [2, 0], sizes = [6, 1024], strides = [1, 1]} : vector<8x1024xi32> to vector<6x1024xi32>
    %slice3A_124 = vector.extract_strided_slice %max3A_117 {offsets = [0, 0], sizes = [2, 1024], strides = [1, 1]} : vector<8x1024xi32> to vector<2x1024xi32>
    %concatenate3A_125 = tpu.concatenate %slice3A_123, %slice3A_124 in 0 : vector<6x1024xi32>, vector<2x1024xi32> -> vector<8x1024xi32>
    %max3A_126 = arith.maxsi %min3A_112, %concatenate3A_125 : vector<8x1024xi32>
    %slice3A_127 = vector.extract_strided_slice %min3A_116 {offsets = [2, 0], sizes = [6, 1024], strides = [1, 1]} : vector<8x1024xi32> to vector<6x1024xi32>
    %slice3A_128 = vector.extract_strided_slice %min3A_116 {offsets = [0, 0], sizes = [2, 1024], strides = [1, 1]} : vector<8x1024xi32> to vector<2x1024xi32>
    %concatenate3A_129 = tpu.concatenate %slice3A_127, %slice3A_128 in 0 : vector<6x1024xi32>, vector<2x1024xi32> -> vector<8x1024xi32>
    %max3A_130 = arith.maxsi %max3A_113, %concatenate3A_129 : vector<8x1024xi32>
    %slice3A_131 = vector.extract_strided_slice %max3A_115 {offsets = [2, 0], sizes = [6, 1024], strides = [1, 1]} : vector<8x1024xi32> to vector<6x1024xi32>
    %slice3A_132 = vector.extract_strided_slice %max3A_115 {offsets = [0, 0], sizes = [2, 1024], strides = [1, 1]} : vector<8x1024xi32> to vector<2x1024xi32>
    %concatenate3A_133 = tpu.concatenate %slice3A_131, %slice3A_132 in 0 : vector<6x1024xi32>, vector<2x1024xi32> -> vector<8x1024xi32>
    %max3A_134 = arith.maxsi %min3A_114, %concatenate3A_133 : vector<8x1024xi32>
    %slice3A_135 = vector.extract_strided_slice %min3A_114 {offsets = [2, 0], sizes = [6, 1024], strides = [1, 1]} : vector<8x1024xi32> to vector<6x1024xi32>
    %slice3A_136 = vector.extract_strided_slice %min3A_114 {offsets = [0, 0], sizes = [2, 1024], strides = [1, 1]} : vector<8x1024xi32> to vector<2x1024xi32>
    %concatenate3A_137 = tpu.concatenate %slice3A_135, %slice3A_136 in 0 : vector<6x1024xi32>, vector<2x1024xi32> -> vector<8x1024xi32>
    %max3A_138 = arith.maxsi %max3A_115, %concatenate3A_137 : vector<8x1024xi32>
    %slice3A_139 = vector.extract_strided_slice %max3A_113 {offsets = [2, 0], sizes = [6, 1024], strides = [1, 1]} : vector<8x1024xi32> to vector<6x1024xi32>
    %slice3A_140 = vector.extract_strided_slice %max3A_113 {offsets = [0, 0], sizes = [2, 1024], strides = [1, 1]} : vector<8x1024xi32> to vector<2x1024xi32>
    %concatenate3A_141 = tpu.concatenate %slice3A_139, %slice3A_140 in 0 : vector<6x1024xi32>, vector<2x1024xi32> -> vector<8x1024xi32>
    %max3A_142 = arith.maxsi %min3A_116, %concatenate3A_141 : vector<8x1024xi32>
    %slice3A_143 = vector.extract_strided_slice %min3A_112 {offsets = [2, 0], sizes = [6, 1024], strides = [1, 1]} : vector<8x1024xi32> to vector<6x1024xi32>
    %slice3A_144 = vector.extract_strided_slice %min3A_112 {offsets = [0, 0], sizes = [2, 1024], strides = [1, 1]} : vector<8x1024xi32> to vector<2x1024xi32>
    %concatenate3A_145 = tpu.concatenate %slice3A_143, %slice3A_144 in 0 : vector<6x1024xi32>, vector<2x1024xi32> -> vector<8x1024xi32>
    %max3A_146 = arith.maxsi %max3A_117, %concatenate3A_145 : vector<8x1024xi32>
    %slice3A_147 = vector.extract_strided_slice %max3A_111 {offsets = [2, 0], sizes = [6, 1024], strides = [1, 1]} : vector<8x1024xi32> to vector<6x1024xi32>
    %slice3A_148 = vector.extract_strided_slice %max3A_111 {offsets = [0, 0], sizes = [2, 1024], strides = [1, 1]} : vector<8x1024xi32> to vector<2x1024xi32>
    %concatenate3A_149 = tpu.concatenate %slice3A_147, %slice3A_148 in 0 : vector<6x1024xi32>, vector<2x1024xi32> -> vector<8x1024xi32>
    %max3A_150 = arith.maxsi %min3A_118, %concatenate3A_149 : vector<8x1024xi32>
    %max3A_151 = arith.maxsi %max3A_122, %max3A_138 : vector<8x1024xi32>
    %min3A_152 = arith.minsi %max3A_122, %max3A_138 : vector<8x1024xi32>
    %max3A_153 = arith.maxsi %max3A_126, %max3A_142 : vector<8x1024xi32>
    %min3A_154 = arith.minsi %max3A_126, %max3A_142 : vector<8x1024xi32>
    %max3A_155 = arith.maxsi %max3A_130, %max3A_146 : vector<8x1024xi32>
    %min3A_156 = arith.minsi %max3A_130, %max3A_146 : vector<8x1024xi32>
    %max3A_157 = arith.maxsi %max3A_134, %max3A_150 : vector<8x1024xi32>
    %min3A_158 = arith.minsi %max3A_134, %max3A_150 : vector<8x1024xi32>
    %max3A_159 = arith.maxsi %max3A_151, %max3A_155 : vector<8x1024xi32>
    %min3A_160 = arith.minsi %max3A_151, %max3A_155 : vector<8x1024xi32>
    %max3A_161 = arith.maxsi %max3A_153, %max3A_157 : vector<8x1024xi32>
    %min3A_162 = arith.minsi %max3A_153, %max3A_157 : vector<8x1024xi32>
    %max3A_163 = arith.maxsi %min3A_152, %min3A_156 : vector<8x1024xi32>
    %min3A_164 = arith.minsi %min3A_152, %min3A_156 : vector<8x1024xi32>
    %max3A_165 = arith.maxsi %min3A_154, %min3A_158 : vector<8x1024xi32>
    %min3A_166 = arith.minsi %min3A_154, %min3A_158 : vector<8x1024xi32>
    %max3A_167 = arith.maxsi %max3A_159, %max3A_161 : vector<8x1024xi32>
    %min3A_168 = arith.minsi %max3A_159, %max3A_161 : vector<8x1024xi32>
    %max3A_169 = arith.maxsi %min3A_160, %min3A_162 : vector<8x1024xi32>
    %min3A_170 = arith.minsi %min3A_160, %min3A_162 : vector<8x1024xi32>
    %max3A_171 = arith.maxsi %max3A_163, %max3A_165 : vector<8x1024xi32>
    %min3A_172 = arith.minsi %max3A_163, %max3A_165 : vector<8x1024xi32>
    %max3A_173 = arith.maxsi %min3A_164, %min3A_166 : vector<8x1024xi32>
    %min3A_174 = arith.minsi %min3A_164, %min3A_166 : vector<8x1024xi32>
    %slice3A_175 = vector.extract_strided_slice %max3A_167 {offsets = [0, 0], sizes = [2, 1024], strides = [1, 1]} : vector<8x1024xi32> to vector<2x1024xi32>
    %slice3A_176 = vector.extract_strided_slice %min3A_168 {offsets = [0, 0], sizes = [2, 1024], strides = [1, 1]} : vector<8x1024xi32> to vector<2x1024xi32>
    %slice3A_177 = vector.extract_strided_slice %max3A_169 {offsets = [0, 0], sizes = [2, 1024], strides = [1, 1]} : vector<8x1024xi32> to vector<2x1024xi32>
    %slice3A_178 = vector.extract_strided_slice %min3A_170 {offsets = [0, 0], sizes = [2, 1024], strides = [1, 1]} : vector<8x1024xi32> to vector<2x1024xi32>
    %slice3A_179 = vector.extract_strided_slice %max3A_171 {offsets = [0, 0], sizes = [2, 1024], strides = [1, 1]} : vector<8x1024xi32> to vector<2x1024xi32>
    %slice3A_180 = vector.extract_strided_slice %min3A_172 {offsets = [0, 0], sizes = [2, 1024], strides = [1, 1]} : vector<8x1024xi32> to vector<2x1024xi32>
    %slice3A_181 = vector.extract_strided_slice %max3A_173 {offsets = [0, 0], sizes = [2, 1024], strides = [1, 1]} : vector<8x1024xi32> to vector<2x1024xi32>
    %slice3A_182 = vector.extract_strided_slice %min3A_174 {offsets = [0, 0], sizes = [2, 1024], strides = [1, 1]} : vector<8x1024xi32> to vector<2x1024xi32>
    %concatenate3A_183 = tpu.concatenate %slice3A_175, %slice3A_176, %slice3A_177, %slice3A_178, %slice3A_179, %slice3A_180, %slice3A_181, %slice3A_182 in 0 : vector<2x1024xi32>, vector<2x1024xi32>, vector<2x1024xi32>, vector<2x1024xi32>, vector<2x1024xi32>, vector<2x1024xi32>, vector<2x1024xi32>, vector<2x1024xi32> -> vector<16x1024xi32>
    %slice3A_184 = vector.extract_strided_slice %concatenate3A_183 {offsets = [0, 0], sizes = [16, 512], strides = [1, 1]} : vector<16x1024xi32> to vector<16x512xi32>
    %swap3A = arith.constant 0 : index
    %swap3A_185 = arith.constant 0 : index
    %swap3A_186 = arith.constant 0 : index
    %swap3A_187 = vector.load %arg3[%swap3A, %swap3A_185, %swap3A_186] : memref<2x16x512xi32, #tpu.memory_space<vmem>>, vector<1x16x512xi32>
    %swap3A_188 = vector.shape_cast %swap3A_187 : vector<1x16x512xi32> to vector<16x512xi32>
    %swap3A_189 = vector.shape_cast %slice3A_184 : vector<16x512xi32> to vector<1x16x512xi32>
    tpu.vector_store %arg3[%swap3A, %swap3A_185, %swap3A_186], %swap3A_189 {strides = array<i32>} : memref<2x16x512xi32, #tpu.memory_space<vmem>>, vector<1x16x512xi32>,
    %slice3A_190 = vector.extract_strided_slice %concatenate3A_183 {offsets = [0, 512], sizes = [16, 512], strides = [1, 1]} : vector<16x1024xi32> to vector<16x512xi32>
    %swap3A_191 = arith.constant 1 : index
    %swap3A_192 = arith.constant 0 : index
    %swap3A_193 = arith.constant 0 : index
    %swap3A_194 = vector.load %arg3[%swap3A_191, %swap3A_192, %swap3A_193] : memref<2x16x512xi32, #tpu.memory_space<vmem>>, vector<1x16x512xi32>
    %swap3A_195 = vector.shape_cast %swap3A_194 : vector<1x16x512xi32> to vector<16x512xi32>
    %swap3A_196 = vector.shape_cast %slice3A_190 : vector<16x512xi32> to vector<1x16x512xi32>
    tpu.vector_store %arg3[%swap3A_191, %swap3A_192, %swap3A_193], %swap3A_196 {strides = array<i32>} : memref<2x16x512xi32, #tpu.memory_space<vmem>>, vector<1x16x512xi32>,
    return
  }
  func.func @transform_0(%arg0: i32) -> (i32, i32) {
    %c0_i32 = arith.constant 0 : i32
    %c0_i32_0 = arith.constant 0 : i32
    return %arg0, %c0_i32 : i32, i32
  }
  func.func @transform_1(%arg0: i32) -> (i32, i32) {
    %c0_i32 = arith.constant 0 : i32
    %c0_i32_0 = arith.constant 0 : i32
    %c0_i32_1 = arith.constant 0 : i32
    return %c0_i32, %c0_i32_0 : i32, i32
  }
  func.func @transform_2(%arg0: i32) -> (i32, i32, i32) {
    %c0_i32 = arith.constant 0 : i32
    %c0_i32_0 = arith.constant 0 : i32
    %c0_i32_1 = arith.constant 0 : i32
    return %arg0, %c0_i32, %c0_i32_0 : i32, i32, i32
  }
}

</mosaic_0001>

<sc_bundles>
// kernel: kernel.4.cloned.1.call-start
scs
__scs_entry_jumppad:
0x0: {  	(pc) =	sbr.rel $0x88, $3  }
0x1: {  	(tag) =	ssettag $0x0;
	lr =	simm.s32 $0x1  }
0x2: {  	[smem:$0x3F9F] =	sst lr;
	_ =	strace $0xD0000000  }
0x3: {  	_ = 	snop  }
0x4: {  	_ = 	snop  }
0x5: {  	_ = 	snop  }
0x6: {  	_ = 	snop  }
0x7: {  	_ = 	snop  }
__scs_overlays_trampoline_lowered:
0x8: {  	[smem:$0x3FAE] =	sst s0  }
0x9: {  	[smem:$0x3FAF] =	sst s1  }
0xa: {  	[smem:$0x3FB0] =	sst s2  }
0xb: {  	[smem:$0x3FB1] =	sst s3  }
0xc: {  	[smem:$0x3FB2] =	sst s4  }
0xd: {  	[smem:$0x3FB3] =	sst s5  }
0xe: {  	[smem:$0x3FB4] =	sst s6  }
0xf: {  	[smem:$0x3FB5] =	sst s7  }
0x10: {  	[smem:$0x3FB6] =	sst s8  }
0x11: {  	[smem:$0x3FB7] =	sst s9;
	s0 =	simm.s32 @!p0 $0x0  }
0x12: {  	s1 =	sld [smem:$0x3F9D];
	s0 =	simm.s32 @p0 $0x1  }
0x13: {  	[smem:$0x3FB8] =	sst s0;
	s0 =	simm.s32 @!p1 $0x0  }
0x14: {  	s2 =	sld [smem:$0x3F9C];
	s0 =	simm.s32 @p1 $0x1  }
0x15: {  	[smem:$0x3FB9] =	sst s0;
	s0 =	simm.s32 @!p2 $0x0  }
0x16: {  	s3 =	sld [smem:$0x3FDB];
	s0 =	simm.s32 @p2 $0x1  }
0x17: {  	s4 =	simm.s32 $0x1BF5;
	[smem:$0x3FBB] =	sst s0  }
0x18: {  	s0 =	sld [smem:$0x3F9E];
	_ =	swait.ge [sflag:s4], $0x0  }
0x19: {  	s7 =	sld [smem:$0x3F9F]  }
0x1a: {  	s8 =	sadd.s32 $0xFFFFE003, lr  }
0x1b: {  	s9 =	sadd.s32 $0xFFFFFEF7, lr;
	s5 =	simm.s32 $0xFFFFFFFF;
	p2 =	slt.u32 s8, $0xFFFFF086  }
0x1c: {  	p1 =	slt.u32 s9, $0xF7A;
	s5 =	simm.s32 @!p2 $0x0  }
0x1d: {  	s5 =	simm.s32 @p1 $0x1;
	p0 =	seq.s32 s7, s2  }
0x1e: {  	s7 =	smul.u32 @!p0 $0xF7A, s2;
	p2 =	seq.s32 @!p0 s5, $0x0  }
0x1f: {  	s9 =	smul.u32 $0xF7A, s1;
	s8 =	simm.s32 @!p0 $0x1BF5;
	p2 =	por !p2, p0  }
0x20: {  	[sflag:s8] =	ssyncset.s32 @!p0 $0xFFFFF086;
	s6 =	sadd.s32 @!p0 s3, s7;
	s7 =	simm.s32 @!p0 $0x108  }
0x21: {  	s3 =	sadd.s32 s3, s9;
	s6 =	sadd.s32 @!p0 $0x88, s6;
	s7 =	simm.s32 @p2 $0x1082  }
0x22: {  	[simem:s7], [sflag:s8] =	dma.local @!p0 [hbm:s6], $0xF7A  }
0x23: {  	s9 =	sor.u32 $0xD0000000, s2;
	s6 =	simm.s32 $0x108;
	_ =	swait.ge @!p0 [sflag:s8], $0x0  }
0x24: {  	s3 =	sadd.s32 $0x88, s3;
	s6 =	simm.s32 @!p1 $0x1082;
	[sflag:s4] =	ssyncset.s32 $0xFFFFF086  }
0x25: {  	[simem:s6], [sflag:s4] =	dma.local [hbm:s3], $0xF7A  }
0x26: {  	[smem:$0x3F9F] =	sst s1;
	(tag) =	ssettag s2;
	_ =	strace s9  }
0x27: {  	s1 =	sld [smem:$0x3FAF]  }
0x28: {  	s2 =	sld [smem:$0x3FB0]  }
0x29: {  	s4 =	sld [smem:$0x3FB2]  }
0x2a: {  	p0 =	seq.s32 s5, $0x0;
	s5 =	sld [smem:$0x3FB3]  }
0x2b: {  	s6 =	sld [smem:$0x3FB4]  }
0x2c: {  	s7 =	sld [smem:$0x3FB5]  }
0x2d: {  	s3 =	simm.s32 $0x108;
	s8 =	sld [smem:$0x3FB6]  }
0x2e: {  	s3 =	simm.s32 @!p0 $0x1082;
	s9 =	sld [smem:$0x3FB7]  }
0x2f: {  	lr =	sadd.s32 s0, s3;
	s0 =	sld [smem:$0x3FAE]  }
0x30: {  	s3 =	sld [smem:$0x3FB1]  }
0x31: {  	[smem:$0x3FBA] =	sst s10  }
0x32: {  	s10 =	sld [smem:$0x3FB8];
	_ =	sdelay $0x3  }
0x33: {  	p0 =	seq.s32 s10, $0x1;
	s10 =	sld [smem:$0x3FBA];
	_ =	sdelay $0x3  }
0x34: {  	[smem:$0x3FBA] =	sst s10  }
0x35: {  	s10 =	sld [smem:$0x3FB9];
	_ =	sdelay $0x3  }
0x36: {  	p1 =	seq.s32 s10, $0x1;
	s10 =	sld [smem:$0x3FBA];
	_ =	sdelay $0x3  }
0x37: {  	[smem:$0x3FBA] =	sst s10  }
0x38: {  	s10 =	sld [smem:$0x3FBB]  }
0x39: {  	_ = 	snop;
	(pc) =	sbr.ind lr, $3  }
0x3a: {  	_ = 	snop  }
0x3b: {  	_ = 	snop  }
0x3c: {  	p2 =	seq.s32 s10, $0x1;
	s10 =	sld [smem:$0x3FBA]  }
0x3d: {  	_ =	shalt  }
0x3e: {  	_ =	shalt  }
0x3f: {  	_ =	shalt  }
0x40: {  	_ =	shalt  }
0x41: {  	_ =	shalt  }
0x42: {  	_ =	shalt  }
0x43: {  	_ =	shalt  }
0x44: {  	_ =	shalt  }
0x45: {  	_ =	shalt  }
0x46: {  	_ =	shalt  }
0x47: {  	_ =	shalt  }
0x48: {  	_ =	shalt  }
0x49: {  	_ =	shalt  }
0x4a: {  	_ =	shalt  }
0x4b: {  	_ =	shalt  }
0x4c: {  	_ =	shalt  }
0x4d: {  	_ =	shalt  }
0x4e: {  	_ =	shalt  }
0x4f: {  	_ =	shalt  }
0x50: {  	_ =	shalt  }
0x51: {  	_ =	shalt  }
0x52: {  	_ =	shalt  }
0x53: {  	_ =	shalt  }
0x54: {  	_ =	shalt  }
0x55: {  	_ =	shalt  }
0x56: {  	_ =	shalt  }
0x57: {  	_ =	shalt  }
0x58: {  	_ =	shalt  }
0x59: {  	_ =	shalt  }
0x5a: {  	_ =	shalt  }
0x5b: {  	_ =	shalt  }
0x5c: {  	_ =	shalt  }
0x5d: {  	_ =	shalt  }
0x5e: {  	_ =	shalt  }
0x5f: {  	_ =	shalt  }
0x60: {  	_ =	shalt  }
0x61: {  	_ =	shalt  }
0x62: {  	_ =	shalt  }
0x63: {  	_ =	shalt  }
0x64: {  	_ =	shalt  }
0x65: {  	_ =	shalt  }
0x66: {  	_ =	shalt  }
0x67: {  	_ =	shalt  }
0x68: {  	_ =	shalt  }
0x69: {  	_ =	shalt  }
0x6a: {  	_ =	shalt  }
0x6b: {  	_ =	shalt  }
0x6c: {  	_ =	shalt  }
0x6d: {  	_ =	shalt  }
0x6e: {  	_ =	shalt  }
0x6f: {  	_ =	shalt  }
0x70: {  	_ =	shalt  }
0x71: {  	_ =	shalt  }
0x72: {  	_ =	shalt  }
0x73: {  	_ =	shalt  }
0x74: {  	_ =	shalt  }
0x75: {  	_ =	shalt  }
0x76: {  	_ =	shalt  }
0x77: {  	_ =	shalt  }
0x78: {  	_ =	shalt  }
0x79: {  	_ =	shalt  }
0x7a: {  	_ =	shalt  }
0x7b: {  	_ =	shalt  }
0x7c: {  	_ =	shalt  }
0x7d: {  	_ =	shalt  }
0x7e: {  	_ =	shalt  }
0x7f: {  	_ =	shalt  }
0x80: {  	_ =	shalt  }
0x81: {  	_ =	shalt  }
0x82: {  	_ =	shalt  }
0x83: {  	_ =	shalt  }
0x84: {  	_ =	shalt  }
0x85: {  	_ =	shalt  }
0x86: {  	_ =	shalt  }
0x87: {  	_ =	shalt  }
.Lfunc_end0:
.L_simem_size_0:
called_computation_lowered:
.L_overlay_start_0:
0x88: {  	s2 =	sld [smem:$0x3FD9]  }
0x89: {  	s3 =	sld [smem:$0x3FFE];
	_ =	sdelay $0x1  }
0x8a: {  	s1 =	srdreg.scid  }
0x8b: {  	s0 =	sand.u32 $0x1, s1  }
0x8c: {  	s14 =	sshll.u32 s0, $0xA;
	s2 =	sadd.s32 s3, s2  }
0x8d: {  	s2 =	sadd.s32 s2, s14  }
0x8e: {  	[smem:$0x3FC6] =	sst s2  }
0x8f: {  	_ = 	snop  }
0x90: {  	s2 =	sld [smem:$0x3FD0];
	_ =	sdelay $0x2  }
0x91: {  	s15 =	simm.s32 $0xA;
	s4 =	simm.s32 $0x10  }
0x92: {  	[smem:s4], [sflag:s15] =	dma.local [hbm:s2], $0x1  }
0x93: {  	_ =	swait.eq [sflag:s15], $0x1  }
0x94: {  	[sflag:s15] =	ssyncset.done $0x0  }
0x95: {  	[sflag:s15] =	ssyncadd.s32 $0xFFFFFFFF  }
0x96: {  	s16 =	sld [smem:$0x10];
	(tm) =	ssettm $0x1  }
0x97: {  	s17 =	sld [smem:$0x3FFB];
	_ =	sdelay $0x3  }
0x98: {  	_ =	strace s17  }
0x99: {  	s3 =	sld [smem:$0x3FFC];
	_ =	sdelay $0x3  }
0x9a: {  	_ =	strace s3  }
0x9b: {  	s3 =	sld [smem:$0x3FFD];
	_ =	sdelay $0x3  }
0x9c: {  	_ =	strace s3  }
0x9d: {  	_ =	strace $0x8FFFFFFF  }
0x9e: {  	s18 =	sld [smem:$0x3FDB];
	_ =	sdelay $0x1  }
0x9f: {  	s19 =	simm.s32 $_scs_section_size  }
0xa0: {  	s5 =	simm.s32 $_size__tile_overlayer_lowered;
	s6 =	simm.s32 $_tile_overlayer_lowered  }
0xa1: {  	s22 =	simm.s32 $0x1BFF;
	s21 =	sshll.u32 s6, $0x1;
	s3 =	sadd.s32 s19, s18  }
0xa2: {  	s7 =	simm.s32 $0x0;
	s20 =	sshll.u32 s5, $0x1;
	s5 =	sadd.s32 s21, s3  }
0xa3: {  	[timem:s7], [sflag:s22] =	dma.local [hbm:s5], s20  }
0xa4: {  	_ =	swait.ge [sflag:s22], s20  }
0xa5: {  	s4 =	ssub.s32 $0x0, s20;
	[sflag:s22] =	ssyncset.done $0x0  }
0xa6: {  	[sflag:s22] =	ssyncadd.s32 s4;
	_ =	sdelay $0x1  }
0xa7: {  	s23 =	simm.s32 $0x1B8B  }
0xa8: {  	_ =	swait.ge [sflag:s23], $0x1  }
0xa9: {  	[sflag:s23] =	ssyncset.done $0x0  }
0xaa: {  	s25 =	simm.s32 $0x1B8E;
	s24 =	sld [smem:$0x3FFE];
	[sflag:s23] =	ssyncadd.s32 $0xFFFFFFFF  }
0xab: {  	s26 =	simm.s32 $execute0_lowered;
	[smem:$0x3FD2] =	sst s25  }
0xac: {  	s5 =	sshll.u32 s26, $0x1;
	_ =	strace $0x80000046;
	[dreg:$0x1] =	wrdreg $0xFFFFFFFF  }
0xad: {  	s28 =	simm.s32 $_size_execute0_lowered;
	s3 =	sadd.s32 s3, s5;
	[dreg:$0x0] =	wrdreg $0x0  }
0xae: {  	s5 =	sshll.u32 s28, $0x1;
	[dreg:$0x2] =	wrdreg s3  }
0xaf: {  	[dreg:$0x3] =	wrdreg s5  }
0xb0: {  	[dreg:$0x4] =	wrdreg $0xC0  }
0xb1: {  	_ =	task [dreg:s7], $0x5FFFF  }
0xb2: {  	[dreg:$0x1] =	wrdreg $0xFFFFFFFF  }
0xb3: {  	[dreg:$0x0] =	wrdreg $0x60  }
0xb4: {  	[dreg:$0x2] =	wrdreg s24  }
0xb5: {  	[dreg:$0x3] =	wrdreg s16  }
0xb6: {  	[dreg:$0x4] =	wrdreg $0x9  }
0xb7: {  	_ =	task.clear_ibuf [dreg:s7], $0x5FFFF;
	_ =	strace $0x90000046  }
0xb8: {  	s29 =	simm.s32 $0x9;
	_ =	strace $0x80000048  }
0xb9: {  	_ =	swait.ge [sflag:s29], $0x1  }
0xba: {  	[sflag:s29] =	ssyncadd.s32 $0xFFFFFFFF  }
0xbb: {  	_ =	strace $0x90000048  }
0xbc: {  	_ =	sfence  }
0xbd: {  	s30 =	sld [smem:$0x0];
	_ =	sdelay $0x2  }
0xbe: {  	s31 =	sshll.u32 s1, $0xD;
	s1 =	sshrl.u32 s1, $0x2  }
0xbf: {  	s3 =	sand.u32 $0x4000, s31;
	s1 =	sadd.s32 s1, s30  }
0xc0: {  	s0 =	sor.u32 s3, s0;
	s1 =	sshll.u32 s1, $0x11  }
0xc1: {  	s0 =	sor.u32 s1, s0  }
0xc2: {  	s0 =	sadd.s32 $0x8F2B, s0  }
0xc3: {  	[sflag:s0] =	ssyncadd.remote.s32 $0x1  }
0xc4: {  	_ =	sfence.sel $0xFFFF  }
0xc5: {  	[dreg:$0x0] =	wrdreg $0xFFFFFFFF;
	(pc) =	sbr.abs _section_cstart, $3  }
0xc6: {  	[dreg:$0x1] =	wrdreg $0xFFFFFFFF  }
0xc7: {  	_ =	task.clear_ibuf [dreg:s7], $0x2FFFF;
	_ =	strace $0x9FFFFFFF  }
0xc8: {  	(tm) =	ssettm $0x7FFFFFFF  }
0xc9: {  	_ =	shalt  }
tec
execute0_lowered:
.L_overlay_start_1:
0x0: {  	(tag) =	ssettag $0x1  }
0x1: {  	s3 =	rddreg [dreg:$0x0]  }
0x2: {  	s4 =	rddreg [dreg:$0x1]  }
0x3: {  	s0 =	rddreg [dreg:$0x2]  }
0x4: {  	s5 =	srdreg.scid;
	s1 =	stileid.u32  }
0x5: {  	s2 =	simm.s32 $0x0;
	s5 =	sand.u32 $0x1, s5;
	s6 =	sshll.u32 s1, $0x1  }
0x6: {  	s10 =	simm.s32 $0x0;
	[smem:$0x7FF] =	sst s2;
	s6 =	sor.u32 s5, s6  }
0x7: {  	_ =	strace $0x80000047;
	s5 =	ssub.s32 $0x2, s5;
	s7 =	sshll.u32 s6, $0xA  }
0x8: {  	s6 =	sshll.u32 s6, $0x9;
	s31 =	sshrl.u32 s5, $0x1;
	s7 =	sadd.s32 s7, s3  }
0x9: {  	s8 =	sadd.s32 s6, s3;
	s9 =	ssub.s32 s5, s31;
	s4 =	sadd.s32 s4, s6  }
0xa: {  	s3 =	sadd.s32 $0xC00, s7;
	s5 =	sadd.s32 $0x8C00, s8;
	s6 =	smax.u32 s9, $0x1  }
0xb: {  	s7 =	simm.s32 $0x1;
	s8 =	simm.s32 $0x2000;
	s9 =	simm.s32 $0x3000  }
.LBB2_1:
0xc: {  	[tilespmem:s2], [sflag:$0x1] =	stream.linear.gather [hbm4b:s3+s2], $0x2000, $0x38;
	[tilespmem:$0x4000] =	vst v63  }
0xd: {  	_ =	swait.ge [sflag:s7], $0x2000  }
0xe: {  	s12 =	sand.u32 $0xC00, s2;
	s11 =	sand.u32 $0x70, s2;
	[sflag:s7] =	ssyncset.done $0x0  }
0xf: {  	s11 =	sor.u32 s11, s12;
	[sflag:s7] =	ssyncadd.s32 $0xFFFFE000  }
0x10: {  	v0 =	vld [tilespmem:s11+$0x80]  }
0x11: {  	v1 =	vld [tilespmem:s11+$0x1080]  }
0x12: {  	v2 =	vld [tilespmem:s11+$0x1300]  }
0x13: {  	v3 =	vld [tilespmem:s11+$0x300]  }
0x14: {  	v4 =	vld [tilespmem:s11+$0x1200]  }
0x15: {  	v5 =	vld [tilespmem:s11+$0x200]  }
0x16: {  	v6 =	vld [tilespmem:s11+$0x280]  }
0x17: {  	v7 =	vld [tilespmem:s11+$0x1100]  }
0x18: {  	v8 =	vld [tilespmem:s11+$0x0]  }
0x19: {  	v9 =	vld [tilespmem:s11+$0x1380]  }
0x1a: {  	v10 =	vld [tilespmem:s11+$0x100]  }
0x1b: {  	s12 =	sor.u32 s12, s2;
	v11 =	vld [tilespmem:s11+$0x1280]  }
0x1c: {  	s12 =	sor.u32 $0x180, s12;
	v12 =	vld [tilespmem:s11+$0x1180]  }
0x1d: {  	v13 =	vld [tilespmem:s12+$0x0]  }
0x1e: {  	s13 =	sor.u32 s2, s2  }
0x1f: {  	s13 =	sor.u32 $0x380, s13  }
0x20: {  	v14 =	vld [tilespmem:s13+$0x0];
	vm0 =	vgt.s32 v2, v0;
	vm1 =	vgt.s32 v3, v1;
	vm12 =	vgt.s32 v7, v6  }
0x21: {  	vm13 =	vgt.s32 v10, v11;
	vm2 =	vgt.s32 v8, v9;
	v0 =	vsel vm0, v2, v0;
	v2 =	vld [tilespmem:s11+$0x1000]  }
0x22: {  	vm14 =	vgt.s32 v4, v13;
	vm3 =	vgt.s32 v5, v12;
	v1 =	vsel vm1, v3, v1  }
0x23: {  	v6 =	vsel vm12, v7, v6;
	v43 =	vsel vm13, v10, v11;
	v4 =	vsel vm14, v4, v13  }
0x24: {  	v5 =	vsel vm3, v5, v12;
	v8 =	vsel vm2, v8, v9;
	vm0 =	vlt.s32 v1, v0  }
0x25: {  	vm15 =	vlt.s32 v43, v6;
	vm8 =	vlt.s32 v5, v4;
	v3 =	vsel vm0, v1, v0  }
0x26: {  	v10 =	vsel vm15, v6, v43;
	v6 =	vsel vm15, v43, v6;
	vm6 =	vgt.s32 v2, v14  }
0x27: {  	v0 =	vsel vm0, v0, v1;
	v44 =	vsel vm8, v4, v5;
	v2 =	vsel vm6, v2, v14  }
0x28: {  	v4 =	vsel vm8, v5, v4;
	vm10 =	vlt.s32 v10, v0;
	vm7 =	vlt.s32 v8, v2  }
0x29: {  	vm12 =	vlt.s32 v6, v3;
	v46 =	vsel vm10, v0, v10;
	v1 =	vsel vm7, v2, v8  }
0x2a: {  	v47 =	vsel vm12, v3, v6;
	v0 =	vsel vm10, v10, v0;
	vm9 =	vlt.s32 v1, v44  }
0x2b: {  	v3 =	vsel vm12, v6, v3;
	v2 =	vsel vm7, v8, v2;
	v45 =	vsel vm9, v44, v1  }
0x2c: {  	vm11 =	vlt.s32 v2, v4;
	v1 =	vsel vm9, v1, v44;
	vm13 =	vlt.s32 v45, v46  }
0x2d: {  	vm1 =	vlt.s32 v1, v0;
	v48 =	vsel vm13, v46, v45;
	v5 =	vsel vm13, v45, v46  }
0x2e: {  	v55 =	vsel vm1, v1, v0;
	v0 =	vsel vm1, v0, v1;
	v49 =	vandn.u32 $0x3F, v48  }
0x2f: {  	v9 =	vshrl.u32 v48, $0x2;
	v50 =	vshrl.u32 v5, $0x2;
	v1 =	vandn.u32 $0x3F, v5;
	[tilespmem:s11+$0x2000] =	vst v49  }
0x30: {  	v56 =	vshrl.u32 v0, $0x2;
	v0 =	vandn.u32 $0x3F, v0;
	v9 =	vand.u32 $0x3FFFFFF0, v9;
	[tilespmem:s11+$0x2080] =	vst v1  }
0x31: {  	v54 =	vsel vm11, v4, v2;
	v51 =	vand.u32 $0x3FFFFFF0, v50;
	[tilespmem:s11+$0x2100] =	vst v0;
	v52 =	vxor.u32 $0x20000000, v9  }
0x32: {  	v2 =	vsel vm11, v2, v4;
	v1 =	vand.u32 $0x3FFFFFF0, v56;
	v53 =	vxor.u32 $0x20000000, v51;
	[tilespmem:s11+$0x3000] =	vst v52  }
0x33: {  	vm14 =	vlt.s32 v54, v47;
	v57 =	vshrl.u32 v55, $0x2;
	v1 =	vxor.u32 $0x20000000, v1;
	[tilespmem:s11+$0x3080] =	vst v53  }
0x34: {  	v0 =	vsel vm14, v47, v54;
	v4 =	vand.u32 $0x3FFFFFF0, v57;
	[tilespmem:s11+$0x3100] =	vst v1;
	v1 =	vandn.u32 $0x3F, v55  }
0x35: {  	vm15 =	vlt.s32 v2, v3;
	v59 =	vshrl.u32 v0, $0x2;
	v4 =	vxor.u32 $0x20000000, v4;
	[tilespmem:s12+$0x2000] =	vst v1  }
0x36: {  	v58 =	vsel vm14, v54, v47;
	v0 =	vandn.u32 $0x3F, v0;
	v6 =	vand.u32 $0x3FFFFFF0, v59;
	[tilespmem:s12+$0x3000] =	vst v4  }
0x37: {  	v61 =	vsel vm15, v3, v2;
	v1 =	vshrl.u32 v58, $0x2;
	v60 =	vxor.u32 $0x20000000, v6;
	[tilespmem:s11+$0x2200] =	vst v0  }
0x38: {  	s15 =	simm.s32 $0x80;
	v63 =	vandn.u32 $0x3F, v61;
	v1 =	vand.u32 $0x3FFFFFF0, v1;
	v0 =	vsel vm15, v2, v3;
	[tilespmem:s11+$0x3200] =	vst v60  }
0x39: {  	s31 =	simm.s32 $0x10;
	s16 =	sand.u32 $0xC00, s15;
	v2 =	vandn.u32 $0x3F, v58;
	v3 =	vshrl.u32 v61, $0x2;
	[tilespmem:s11+$0x2300] =	vst v63;
	v62 =	vshrl.u32 v0, $0x2  }
0x3a: {  	s17 =	simm.s32 $0x20;
	s18 =	sand.u32 $0x70, s31;
	s19 =	sor.u32 s16, s31;
	v1 =	vxor.u32 $0x20000000, v1;
	[tilespmem:s11+$0x2280] =	vst v2;
	v2 =	vand.u32 $0x3FFFFFF0, v3;
	v3 =	vand.u32 $0x3FFFFFF0, v62  }
0x3b: {  	s14 =	sor.u32 s15, s31;
	s16 =	sor.u32 s18, s16;
	s12 =	sor.u32 $0x180, s19;
	[tilespmem:s11+$0x3280] =	vst v1;
	v2 =	vxor.u32 $0x20000000, v2;
	v1 =	vxor.u32 $0x20000000, v3  }
.LBB2_2:
0x3c: {  	p0 =	sne.s32 s17, $0x1F0;
	s15 =	sadd.s32 $0x80, s15  }
0x3d: {  	[tilespmem:s11+$0x3300] =	vst v2;
	s18 =	smov.u32 s17;
	s17 =	sadd.s32 $0x10, s17;
	s11 =	smov.u32 s16  }
0x3e: {  	v0 =	vandn.u32 $0x3F, v0;
	s16 =	sor.u32 s15, s18;
	[tilespmem:s13+$0x3000] =	vst v1  }
0x3f: {  	[tilespmem:s13+$0x2000] =	vst v0  }
0x40: {  	v0 =	vld [tilespmem:s11+$0x80]  }
0x41: {  	v1 =	vld [tilespmem:s11+$0x1080]  }
0x42: {  	v2 =	vld [tilespmem:s11+$0x1300]  }
0x43: {  	v3 =	vld [tilespmem:s11+$0x300]  }
0x44: {  	v4 =	vld [tilespmem:s11+$0x1200]  }
0x45: {  	v5 =	vld [tilespmem:s11+$0x200]  }
0x46: {  	v6 =	vld [tilespmem:s11+$0x280]  }
0x47: {  	v7 =	vld [tilespmem:s11+$0x1100];
	vm0 =	vgt.s32 v2, v0  }
0x48: {  	v8 =	vld [tilespmem:s11+$0x0];
	vm1 =	vgt.s32 v3, v1;
	v0 =	vsel vm0, v2, v0  }
0x49: {  	v2 =	vld [tilespmem:s11+$0x1380];
	v1 =	vsel vm1, v3, v1  }
0x4a: {  	v3 =	vld [tilespmem:s11+$0x100];
	vm0 =	vlt.s32 v1, v0  }
0x4b: {  	v9 =	vld [tilespmem:s11+$0x1280];
	v10 =	vsel vm0, v1, v0  }
0x4c: {  	v11 =	vld [tilespmem:s11+$0x1180]  }
0x4d: {  	s13 =	sor.u32 $0x380, s14;
	s14 =	smov.u32 s16;
	v12 =	vld [tilespmem:s12+$0x0]  }
0x4e: {  	v13 =	vld [tilespmem:s13+$0x0];
	vm1 =	vgt.s32 v8, v2  }
0x4f: {  	vm2 =	vgt.s32 v7, v6;
	v14 =	vld [tilespmem:s11+$0x1000]  }
0x50: {  	v6 =	vsel vm2, v7, v6  }
0x51: {  	vm2 =	vgt.s32 v3, v9;
	vm3 =	vgt.s32 v5, v11  }
0x52: {  	v3 =	vsel vm2, v3, v9;
	vm2 =	vgt.s32 v4, v12  }
0x53: {  	v4 =	vsel vm2, v4, v12;
	vm2 =	vlt.s32 v3, v6  }
0x54: {  	v5 =	vsel vm3, v5, v11;
	vm3 =	vgt.s32 v14, v13;
	v7 =	vsel vm2, v6, v3  }
0x55: {  	v2 =	vsel vm1, v8, v2;
	v3 =	vsel vm2, v3, v6;
	v8 =	vsel vm3, v14, v13  }
0x56: {  	v0 =	vsel vm0, v0, v1;
	vm2 =	vlt.s32 v5, v4;
	vm1 =	vlt.s32 v2, v8  }
0x57: {  	v6 =	vsel vm2, v4, v5;
	v4 =	vsel vm2, v5, v4;
	v1 =	vsel vm1, v8, v2  }
0x58: {  	v2 =	vsel vm1, v2, v8;
	vm1 =	vlt.s32 v7, v0;
	vm0 =	vlt.s32 v1, v6  }
0x59: {  	v5 =	vsel vm0, v6, v1;
	v1 =	vsel vm0, v1, v6;
	v6 =	vsel vm1, v0, v7  }
0x5a: {  	vm2 =	vlt.s32 v3, v10;
	vm0 =	vlt.s32 v2, v4;
	vm3 =	vlt.s32 v5, v6  }
0x5b: {  	s16 =	sand.u32 $0xC00, s15;
	v8 =	vsel vm2, v10, v3;
	v9 =	vsel vm3, v6, v5;
	v5 =	vsel vm3, v5, v6  }
0x5c: {  	s19 =	sand.u32 $0x70, s18;
	s18 =	sor.u32 s16, s18;
	v6 =	vandn.u32 $0x3F, v9;
	v9 =	vshrl.u32 v9, $0x2;
	v11 =	vshrl.u32 v5, $0x2  }
0x5d: {  	s16 =	sor.u32 s19, s16;
	s18 =	sor.u32 $0x180, s18;
	v7 =	vsel vm1, v7, v0;
	v0 =	vand.u32 $0x3FFFFFF0, v9;
	[tilespmem:s11+$0x2000] =	vst v6;
	v6 =	vand.u32 $0x3FFFFFF0, v11  }
0x5e: {  	vm1 =	vlt.s32 v1, v7;
	v0 =	vxor.u32 $0x20000000, v0;
	v6 =	vxor.u32 $0x20000000, v6  }
0x5f: {  	v5 =	vandn.u32 $0x3F, v5;
	v9 =	vsel vm0, v4, v2;
	v11 =	vsel vm1, v1, v7;
	[tilespmem:s11+$0x3000] =	vst v0  }
0x60: {  	v0 =	vsel vm0, v2, v4;
	v2 =	vsel vm2, v3, v10;
	vm0 =	vlt.s32 v9, v8;
	[tilespmem:s11+$0x3080] =	vst v6  }
0x61: {  	v3 =	vsel vm0, v8, v9;
	v4 =	vsel vm0, v9, v8;
	v6 =	vshrl.u32 v11, $0x2  }
0x62: {  	v6 =	vand.u32 $0x3FFFFFF0, v6;
	v8 =	vshrl.u32 v3, $0x2;
	v9 =	vshrl.u32 v4, $0x2  }
0x63: {  	vm0 =	vlt.s32 v0, v2;
	v8 =	vand.u32 $0x3FFFFFF0, v8;
	v9 =	vand.u32 $0x3FFFFFF0, v9  }
0x64: {  	v10 =	vsel vm0, v2, v0;
	v0 =	vsel vm0, v0, v2  }
0x65: {  	v1 =	vsel vm1, v7, v1;
	v2 =	vshrl.u32 v10, $0x2;
	v7 =	vshrl.u32 v0, $0x2  }
0x66: {  	v12 =	vshrl.u32 v1, $0x2;
	v2 =	vand.u32 $0x3FFFFFF0, v2;
	v7 =	vand.u32 $0x3FFFFFF0, v7  }
0x67: {  	v12 =	vand.u32 $0x3FFFFFF0, v12;
	[tilespmem:s11+$0x2080] =	vst v5;
	v5 =	vandn.u32 $0x3F, v1;
	v1 =	vxor.u32 $0x20000000, v7  }
0x68: {  	v7 =	vxor.u32 $0x20000000, v12;
	[tilespmem:s11+$0x2100] =	vst v5  }
0x69: {  	v5 =	vandn.u32 $0x3F, v11;
	[tilespmem:s11+$0x3100] =	vst v7  }
0x6a: {  	v6 =	vxor.u32 $0x20000000, v6;
	[tilespmem:s12+$0x2000] =	vst v5  }
0x6b: {  	v3 =	vandn.u32 $0x3F, v3;
	v5 =	vxor.u32 $0x20000000, v8;
	[tilespmem:s12+$0x3000] =	vst v6;
	s12 =	smov.u32 s18  }
.Ltmp0:
0x6c: {  	[tilespmem:s11+$0x2200] =	vst v3;
	(pc) =	sbr.rel @p0 .LBB2_2-.Ltmp0, $4  }
0x6d: {  	v3 =	vandn.u32 $0x3F, v4;
	[tilespmem:s11+$0x3200] =	vst v5  }
0x6e: {  	v4 =	vxor.u32 $0x20000000, v9;
	[tilespmem:s11+$0x2280] =	vst v3  }
0x6f: {  	v3 =	vandn.u32 $0x3F, v10;
	[tilespmem:s11+$0x3280] =	vst v4  }
0x70: {  	v2 =	vxor.u32 $0x20000000, v2;
	[tilespmem:s11+$0x2300] =	vst v3  }
0x71: {  	[tilespmem:s11+$0x3300] =	vst v2  }
0x72: {  	v0 =	vandn.u32 $0x3F, v0;
	[tilespmem:s13+$0x3000] =	vst v1  }
0x73: {  	[tilespmem:s13+$0x2000] =	vst v0  }
0x74: {  	v0 =	vld [tilespmem:s16+$0x80]  }
0x75: {  	v1 =	vld [tilespmem:s16+$0x1080]  }
0x76: {  	v2 =	vld [tilespmem:s16+$0x1300]  }
0x77: {  	v3 =	vld [tilespmem:s16+$0x300]  }
0x78: {  	v4 =	vld [tilespmem:s16+$0x1200]  }
0x79: {  	v5 =	vld [tilespmem:s16+$0x200]  }
0x7a: {  	v6 =	vld [tilespmem:s16+$0x280]  }
0x7b: {  	v7 =	vld [tilespmem:s16+$0x1100]  }
0x7c: {  	v8 =	vld [tilespmem:s16+$0x0]  }
0x7d: {  	v9 =	vld [tilespmem:s16+$0x1380]  }
0x7e: {  	v10 =	vld [tilespmem:s16+$0x100]  }
0x7f: {  	v11 =	vld [tilespmem:s16+$0x1280]  }
0x80: {  	v12 =	vld [tilespmem:s16+$0x1180]  }
0x81: {  	s31 =	sor.u32 $0x380, s14;
	v13 =	vld [tilespmem:s12+$0x0]  }
0x82: {  	v14 =	vld [tilespmem:s31+$0x0]  }
0x83: {  	v36 =	vld [tilespmem:s16+$0x1000];
	_ =	sdelay $0x2  }
0x84: {  	vm0 =	vgt.s32 v2, v0;
	vm1 =	vgt.s32 v3, v1  }
0x85: {  	vm13 =	vgt.s32 v8, v9;
	vm2 =	vgt.s32 v7, v6;
	vm14 =	vgt.s32 v10, v11  }
0x86: {  	vm3 =	vgt.s32 v4, v13;
	vm15 =	vgt.s32 v5, v12;
	vm7 =	vgt.s32 v36, v14  }
0x87: {  	v0 =	vsel vm0, v2, v0;
	v1 =	vsel vm1, v3, v1;
	v6 =	vsel vm2, v7, v6  }
0x88: {  	v37 =	vsel vm14, v10, v11;
	v4 =	vsel vm3, v4, v13;
	v5 =	vsel vm15, v5, v12  }
0x89: {  	v8 =	vsel vm13, v8, v9;
	v2 =	vsel vm7, v36, v14;
	vm0 =	vlt.s32 v1, v0  }
0x8a: {  	vm6 =	vlt.s32 v37, v6;
	vm1 =	vlt.s32 v8, v2;
	vm8 =	vlt.s32 v5, v4  }
0x8b: {  	v3 =	vsel vm0, v1, v0;
	v10 =	vsel vm6, v6, v37;
	v6 =	vsel vm6, v37, v6  }
0x8c: {  	v0 =	vsel vm0, v0, v1;
	v38 =	vsel vm1, v2, v8;
	v39 =	vsel vm8, v4, v5  }
0x8d: {  	v4 =	vsel vm8, v5, v4;
	v2 =	vsel vm1, v8, v2;
	vm9 =	vlt.s32 v38, v39  }
0x8e: {  	vm10 =	vlt.s32 v10, v0;
	vm11 =	vlt.s32 v6, v3;
	vm13 =	vlt.s32 v2, v4  }
0x8f: {  	v40 =	vsel vm9, v39, v38;
	v41 =	vsel vm10, v0, v10;
	v1 =	vsel vm9, v38, v39  }
0x90: {  	v42 =	vsel vm11, v3, v6;
	v0 =	vsel vm10, v10, v0;
	vm12 =	vlt.s32 v40, v41  }
0x91: {  	v47 =	vsel vm13, v4, v2;
	v2 =	vsel vm13, v2, v4;
	v43 =	vsel vm12, v41, v40  }
0x92: {  	vm14 =	vlt.s32 v1, v0;
	v5 =	vsel vm12, v40, v41;
	v44 =	vandn.u32 $0x3F, v43  }
0x93: {  	v48 =	vsel vm14, v0, v1;
	v9 =	vshrl.u32 v43, $0x2;
	v49 =	vandn.u32 $0x3F, v5;
	[tilespmem:s16+$0x2000] =	vst v44  }
0x94: {  	v45 =	vshrl.u32 v5, $0x2;
	v51 =	vandn.u32 $0x3F, v48;
	v9 =	vand.u32 $0x3FFFFFF0, v9;
	[tilespmem:s16+$0x2080] =	vst v49  }
0x95: {  	v50 =	vshrl.u32 v48, $0x2;
	v46 =	vand.u32 $0x3FFFFFF0, v45;
	[tilespmem:s16+$0x2100] =	vst v51;
	v9 =	vxor.u32 $0x20000000, v9  }
0x96: {  	v0 =	vsel vm14, v1, v0;
	v52 =	vand.u32 $0x3FFFFFF0, v50;
	v8 =	vxor.u32 $0x20000000, v46;
	[tilespmem:s16+$0x3000] =	vst v9  }
0x97: {  	vm15 =	vlt.s32 v47, v42;
	v53 =	vshrl.u32 v0, $0x2;
	v4 =	vxor.u32 $0x20000000, v52;
	[tilespmem:s16+$0x3080] =	vst v8  }
0x98: {  	v54 =	vsel vm15, v42, v47;
	v0 =	vandn.u32 $0x3F, v0;
	v5 =	vand.u32 $0x3FFFFFF0, v53;
	[tilespmem:s16+$0x3100] =	vst v4  }
0x99: {  	v3 =	vsel vm11, v6, v3;
	v55 =	vshrl.u32 v54, $0x2;
	v5 =	vxor.u32 $0x20000000, v5;
	[tilespmem:s12+$0x2000] =	vst v0  }
0x9a: {  	vm0 =	vlt.s32 v2, v3;
	v1 =	vandn.u32 $0x3F, v54;
	v4 =	vand.u32 $0x3FFFFFF0, v55;
	[tilespmem:s12+$0x3000] =	vst v5  }
0x9b: {  	v56 =	vsel vm15, v47, v42;
	v59 =	vsel vm0, v3, v2;
	v4 =	vxor.u32 $0x20000000, v4;
	[tilespmem:s16+$0x2200] =	vst v1  }
0x9c: {  	v2 =	vsel vm0, v2, v3;
	v60 =	vshrl.u32 v59, $0x2;
	v0 =	vandn.u32 $0x3F, v56;
	[tilespmem:s16+$0x3200] =	vst v4  }
0x9d: {  	v57 =	vshrl.u32 v56, $0x2;
	v62 =	vandn.u32 $0x3F, v59;
	v3 =	vand.u32 $0x3FFFFFF0, v60;
	[tilespmem:s16+$0x2280] =	vst v0  }
0x9e: {  	v61 =	vshrl.u32 v2, $0x2;
	v58 =	vand.u32 $0x3FFFFFF0, v57;
	v3 =	vxor.u32 $0x20000000, v3;
	[tilespmem:s16+$0x2300] =	vst v62  }
0x9f: {  	v1 =	vxor.u32 $0x20000000, v58;
	v0 =	vand.u32 $0x3FFFFFF0, v61;
	[tilespmem:s16+$0x3300] =	vst v3  }
0xa0: {  	[tilespmem:s16+$0x3280] =	vst v1;
	v0 =	vxor.u32 $0x20000000, v0  }
0xa1: {  	v63 =	vandn.u32 $0x3F, v2;
	[tilespmem:s31+$0x3000] =	vst v0  }
0xa2: {  	[tilespmem:s31+$0x2000] =	vst v63  }
0xa3: {  	[hbm4b:s4+s2] =	stream.linear.scatter [tilespmem:s8], [sflag:$0x1], $0x1000, $0x38;
	[tilespmem:$0x4000] =	vst v63  }
0xa4: {  	s10 =	sadd.s32 $0x1, s10;
	_ =	swait.ge [sflag:s7], $0x1000  }
0xa5: {  	p0 =	sne.s32 s10, s6;
	[sflag:s7] =	ssyncset.done $0x0  }
.Ltmp1:
0xa6: {  	[sflag:s7] =	ssyncadd.s32 $0xFFFFF000;
	(pc) =	sbr.rel @p0 .LBB2_1-.Ltmp1, $4  }
0xa7: {  	[hbm4b:s5+s2] =	stream.linear.scatter [tilespmem:s9], [sflag:$0x1], $0x1000, $0x38;
	[tilespmem:$0x4000] =	vst v63  }
0xa8: {  	_ =	swait.ge [sflag:s7], $0x1000  }
0xa9: {  	[sflag:s7] =	ssyncset.done $0x0  }
0xaa: {  	[sflag:s7] =	ssyncadd.s32 $0xFFFFF000  }
0xab: {  	_ =	sfence.sel $0x180000  }
0xac: {  	[bflag:$0x0] =	sbarrier.arrive $0xFFFF  }
0xad: {  	p0 =	sne.s32 s1, $0x0;
	_ =	strace $0x90000047  }
0xae: {  	s0 =	sadd.s32 @!p0 $0x100000, s0;
	[bflag:$0x2] =	sbarrier.arrive $0xFFFF  }
0xaf: {  	[sflag:s0] =	ssyncadd.tile.s32 @!p0 $0x1;
	_ =	shalt  }
.Lfunc_end2:
_tile_overlayer_lowered:
.L_overlay_start_2:
0xb0: {  	(tag) =	ssettag $0x2  }
0xb1: {  	s0 =	rddreg [dreg:$0x0];
	s2 =	stileid.u32  }
0xb2: {  	s1 =	rddreg [dreg:$0x1];
	p0 =	sne.s32 s2, $0x0  }
0xb3: {  	s3 =	rddreg [dreg:$0x2];
	[bflag:$0x3] =	sbarrier.arrive $0xFFFF;
	s2 =	simm.s32 @!p0 $0x1C01  }
0xb4: {  	[timem:s3], [sflag:s2] =	dma.local @!p0 [hbm:s0], s1  }
0xb5: {  	s0 =	simm.s32 @!p0 $0x1  }
0xb6: {  	_ =	swait.ge @!p0 [sflag:s0], s1  }
0xb7: {  	s1 =	ssub.s32 @!p0 $0x0, s1;
	[sflag:s0] =	ssyncset.done @!p0 $0x0  }
0xb8: {  	[sflag:s0] =	ssyncadd.s32 @!p0 s1  }
0xb9: {  	[bflag:$0x3] =	sbarrier.arrive $0xFFFF  }
0xba: {  	_ =	shalt  }

</sc_bundles>
